<compile_context>
chip_gen: v7x
topology: tpu7x:2x2x1
jax: 0.10.2.dev20260603
libtpu: 0.0.44.dev20260713+nightly
codegen_flags: <defaults>
</compile_context>

<pallas_src>
import functools

import jax
import jax.numpy as jnp
from jax import lax
from jax.experimental import pallas as pl
from jax.experimental.pallas import tpu as pltpu
from jax.experimental.pallas import tpu_sc as plsc

B, D, L = 16, 512, 4096

SC_B = 6
B0 = B - SC_B
CG = D // 32
LB = 512
LANES = 16
NBUF = 8
CHUNK = 8 * LANES
LEN_PAD = 64

LBT2 = 256
NBT = 16


def _sc_body(x_hbm, len_hbm, out_hbm, buf, acc, out_stage, len_v, sems):
    c = lax.axis_index("c")
    s = lax.axis_index("s")
    wid = c * 16 + s
    ch0 = wid * CG

    pltpu.sync_copy(len_hbm, len_v.at[pl.ds(0, B)])
    lane = jnp.arange(LANES, dtype=jnp.int32)
    inf_v = jnp.full((LANES,), jnp.inf, dtype=jnp.float32)

    def nblocks_of(b):
        ln = len_v[pl.ds(b, LANES)][0]
        return (ln + (LB - 1)) // LB, ln

    def total_body(i, t):
        nb, _ = nblocks_of(B0 + i)
        return t + nb

    total_units = lax.fori_loop(0, SC_B, total_body, jnp.int32(0))

    def advance(st):
        b, blk, nb, ln = st
        nxt = blk + 1
        wrap = nxt == nb
        b2 = jnp.minimum(b + wrap.astype(jnp.int32), B - 1)
        blk2 = jnp.where(wrap, 0, nxt)
        nb2, ln2 = nblocks_of(b2)
        return (b2, blk2, jnp.where(wrap, nb2, nb), jnp.where(wrap, ln2, ln))

    def issue(u, st):
        b, blk, _, _ = st
        slot = u % NBUF
        pltpu.async_copy(
            x_hbm.at[b, pl.ds(ch0, CG), pl.ds(blk * LB, LB)],
            buf.at[slot],
            sems.at[slot],
        )

    def wait(u, st):
        b, blk, _, _ = st
        slot = u % NBUF
        pltpu.make_async_copy(
            x_hbm.at[b, pl.ds(ch0, CG), pl.ds(blk * LB, LB)],
            buf.at[slot],
            sems.at[slot],
        ).wait()

    def compute(u, st):
        b, blk, nb, ln = st
        slot = u % NBUF
        l0 = blk * LB
        navail = jnp.minimum(LB, ln - l0)
        n_chunks = navail // CHUNK
        rem = navail - n_chunks * CHUNK

        @pl.when(blk == 0)
        def _():
            def init_body(ch, carry):
                acc[ch] = inf_v
                return carry

            lax.fori_loop(0, CG, init_body, 0)

        def ch_body(ch, carry):
            a = acc[ch]

            def chunk_body(t, a2):
                base = t * CHUNK
                for jj in range(CHUNK // LANES):
                    v = buf[slot, ch, pl.ds(base + jj * LANES, LANES)]
                    a2 = jnp.minimum(a2, v)
                return a2

            a = lax.fori_loop(0, n_chunks, chunk_body, a)

            @pl.when(rem > 0)
            def _():
                a2 = a
                rbase = n_chunks * CHUNK
                for jj in range(CHUNK // LANES):
                    off = jj * LANES
                    v = buf[slot, ch, pl.ds(rbase + off, LANES)]
                    v = jnp.where(lane < rem - off, v, inf_v)
                    a2 = jnp.minimum(a2, v)
                acc[ch] = a2

            @pl.when(rem == 0)
            def _():
                acc[ch] = a

            return carry

        lax.fori_loop(0, CG, ch_body, 0)

        @pl.when(blk == nb - 1)
        def _():
            def pack_body(ch, res):
                m = acc[ch]
                for k in (8, 4, 2, 1):
                    perm = jnp.bitwise_xor(lane, k)
                    m = jnp.minimum(m, m.at[perm].get(mode="promise_in_bounds"))
                return jnp.where(lane == ch, m, res)

            out_stage[pl.ds((b - B0) * LANES, LANES)] = lax.fori_loop(
                0, CG, pack_body, inf_v)

    def pro_body(u, st):
        @pl.when(u < total_units)
        def _():
            issue(u, st)

        return advance(st)

    nb0, ln0 = nblocks_of(B0)
    st0 = (jnp.int32(B0), jnp.int32(0), nb0, ln0)
    ist = lax.fori_loop(0, NBUF - 1, pro_body, st0)

    def unit_body(u, carry):
        cst, ist = carry

        @pl.when(u + (NBUF - 1) < total_units)
        def _():
            issue(u + (NBUF - 1), ist)

        ist2 = advance(ist)
        wait(u, cst)
        compute(u, cst)
        return (advance(cst), ist2)

    lax.fori_loop(0, total_units, unit_body, (st0, ist))

    pltpu.sync_copy(out_stage, out_hbm.at[wid])


@functools.partial(
    pl.kernel,
    mesh=plsc.VectorSubcoreMesh(core_axis_name="c", subcore_axis_name="s"),
    out_type=jax.ShapeDtypeStruct((32, SC_B * LANES), jnp.float32),
    scratch_types=[
        pltpu.VMEM((NBUF, CG, LB), jnp.float32),
        pltpu.VMEM((CG, LANES), jnp.float32),
        pltpu.VMEM((SC_B * LANES,), jnp.float32),
        pltpu.VMEM((LEN_PAD,), jnp.int32),
        pltpu.SemaphoreType.DMA((NBUF,)),
    ],
)
def _sc_pool_min(x_hbm, len_hbm, out_hbm, buf, acc, out_stage, len_v, sems):
    _sc_body(x_hbm, len_hbm, out_hbm, buf, acc, out_stage, len_v, sems)


def _tc_body(lens_ref, x_ref, o_ref, buf, acc, sems):
    K = LBT2 // 128

    def nblocks_of(b):
        ln = lens_ref[jnp.minimum(b, B0 - 1)]
        return (ln + (LBT2 - 1)) // LBT2, ln

    def total_body(b, t):
        nb, _ = nblocks_of(b)
        return t + nb

    total_units = lax.fori_loop(0, B0, total_body, jnp.int32(0))

    def advance(st):
        b, blk, nb, ln = st
        nxt = blk + 1
        wrap = nxt == nb
        b2 = jnp.minimum(b + wrap.astype(jnp.int32), B0 - 1)
        blk2 = jnp.where(wrap, 0, nxt)
        nb2, ln2 = nblocks_of(b2)
        return (b2, blk2, jnp.where(wrap, nb2, nb), jnp.where(wrap, ln2, ln))

    def issue(u, st):
        b, blk, _, _ = st
        slot = u % NBT
        pltpu.make_async_copy(
            x_ref.at[b, :, pl.ds(blk * LBT2, LBT2)],
            buf.at[slot],
            sems.at[slot],
        ).start()

    def wait(u, st):
        b, blk, _, _ = st
        slot = u % NBT
        pltpu.make_async_copy(
            x_ref.at[b, :, pl.ds(blk * LBT2, LBT2)],
            buf.at[slot],
            sems.at[slot],
        ).wait()

    def compute(u, st):
        b, blk, nb, ln = st
        slot = u % NBT

        @pl.when(blk < nb - 1)
        def _():
            m = buf[slot, :, 0:128]
            for j in range(1, K):
                m = jnp.minimum(m, buf[slot, :, j * 128:(j + 1) * 128])

            @pl.when(blk == 0)
            def _():
                acc[...] = m

            @pl.when(blk > 0)
            def _():
                acc[...] = jnp.minimum(acc[...], m)

        @pl.when(blk == nb - 1)
        def _():
            iota = lax.broadcasted_iota(jnp.int32, (D, 128), 1)
            base = blk * LBT2
            m = jnp.full((D, 128), jnp.inf, dtype=jnp.float32)
            for j in range(K):
                xx = buf[slot, :, j * 128:(j + 1) * 128]
                msk = (base + j * 128) + iota < ln
                m = jnp.minimum(m, jnp.where(msk, xx, jnp.inf))

            @pl.when(blk > 0)
            def _():
                acc[...] = jnp.minimum(acc[...], m)

            @pl.when(blk == 0)
            def _():
                acc[...] = m

            o_ref[b, 0, :] = jnp.min(acc[...], axis=1)

    def pro_body(u, st):
        @pl.when(u < total_units)
        def _():
            issue(u, st)

        return advance(st)

    nb0, ln0 = nblocks_of(0)
    st0 = (jnp.int32(0), jnp.int32(0), nb0, ln0)
    ist = lax.fori_loop(0, NBT - 1, pro_body, st0)

    def unit_body(u, carry):
        cst, ist = carry

        @pl.when(u + (NBT - 1) < total_units)
        def _():
            issue(u + (NBT - 1), ist)

        ist2 = advance(ist)
        wait(u, cst)
        compute(u, cst)
        return (advance(cst), ist2)

    lax.fori_loop(0, total_units, unit_body, (st0, ist))


_tc_pool_min = pl.pallas_call(
    _tc_body,
    grid_spec=pltpu.PrefetchScalarGridSpec(
        num_scalar_prefetch=1,
        grid=(1,),
        in_specs=[pl.BlockSpec(memory_space=pltpu.MemorySpace.HBM)],
        out_specs=pl.BlockSpec((B0, 1, D), lambda i, lens: (0, 0, 0)),
        scratch_shapes=[
            pltpu.VMEM((NBT, D, LBT2), jnp.float32),
            pltpu.VMEM((D, 128), jnp.float32),
            pltpu.SemaphoreType.DMA((NBT,)),
        ],
    ),
    out_shape=jax.ShapeDtypeStruct((B0, 1, D), jnp.float32),
)


def kernel(x0, x1, x2):
    del x1
    tc_out = _tc_pool_min(x2, x0).reshape(B0, D)
    sc_raw = _sc_pool_min(x0, x2)
    sc_part = (
        sc_raw.reshape(32, SC_B, LANES)
        .transpose(1, 0, 2)
        .reshape(SC_B, D)
    )
    return jnp.concatenate([tc_out, sc_part], axis=0)

# --- scband reference (transcript-rebuilt; emitter-appended) ---
"""Pipeline reference for scband-dynamic-pooling-min-69157563400284 (READ-ONLY COPY).

The authoritative reference and input builder live on the scoring server;
editing this copy changes nothing except your own understanding.
"""

import jax, jax.numpy as jnp
import numpy as np


def setup_inputs(seed: int = 0) -> dict:
    key = jax.random.key(seed)
    k1, k2 = jax.random.split(key)
    B, d, L = 16, 512, 4096
    x0 = jax.random.normal(k1, (B, d, L), dtype=jnp.float32)
    x1 = jnp.zeros((1,), dtype=jnp.int32)  # unused slot x[1] in original module
    # per-batch valid lengths in [1, L] (avoid 0 so torch.min over empty slice never occurs)
    x2 = jax.random.randint(k2, (B,), 1, L + 1, dtype=jnp.int32)
    return {"x0": x0, "x1": x1, "x2": x2}


def reference(x0, x1, x2):
    # Original torch module: x = (x0, x1, x2). If lengths x2 are non-uniform, for each batch b
    # take min over x0[b, :, :x2[b]] along the sequence axis (dim 2); result [B, d].
    # Faithful vectorized JAX translation via masked min (random lengths make the ragged
    # branch the one taken: len(set(x2)) > 1 with overwhelming probability).
    L = x0.shape[2]
    mask = jnp.arange(L, dtype=jnp.int32)[None, None, :] < x2[:, None, None]
    masked = jnp.where(mask, x0, jnp.inf)
    return jnp.min(masked, axis=2)

if __name__ == "__main__":
    import jax
    _d = setup_inputs()
    print(jax.jit(kernel)(*tuple(_d.values())))

</pallas_src>

<mosaic_0001>
#map = affine_map<(d0, d1) -> (0, 0, 0)>
#map1 = affine_map<(d0, d1) -> (0)>
#map2 = affine_map<(d0, d1) -> (0, 0)>
module attributes {stable_mosaic.version = 14 : i64} {
  func.func @_sc_pool_min(%arg0: i32, %arg1: i32, %arg2: memref<16x512x4096xf32, #tpu.memory_space<hbm>>, %arg3: memref<16xi32, #tpu.memory_space<hbm>>, %arg4: memref<32x96xf32, #tpu.memory_space<hbm>>, %arg5: memref<8x16x512xf32, #tpu.memory_space<vmem>>, %arg6: memref<16x16xf32, #tpu.memory_space<vmem>>, %arg7: memref<96xf32, #tpu.memory_space<vmem>>, %arg8: memref<64xi32, #tpu.memory_space<vmem>>, %arg9: memref<8x!tpu.dma_semaphore, #tpu.memory_space<semaphore_mem>>) attributes {dimension_semantics = [#tpu.dimension_semantics<core_parallel>, #tpu.dimension_semantics<subcore_parallel>], iteration_bounds = array<i64: 2, 16>, scalar_prefetch = 0 : i64, scratch_operands = 5 : i64, tpu.core_type = #tpu.core_type<sc_vector_subcore>, window_params = [{transform_indices = #map}, {transform_indices = #map1}, {transform_indices = #map2}]} {
    %mul3A = arith.constant 16 : i32
    %mul3A_0 = arith.muli %arg0, %mul3A : i32
    %add3A = arith.addi %mul3A_0, %arg1 : i32
    %mul3A_1 = arith.constant 16 : i32
    %mul3A_2 = arith.muli %add3A, %mul3A_1 : i32
    "tpu.region"() ({
      %run_scoped3A = tpu.sem_alloc : memref<!tpu.dma_semaphore, #tpu.memory_space<semaphore_mem>>
      %dma_start3A = arith.constant 0 : i32
      %dma_start3A_50 = tpu.memref_slice %arg8[%dma_start3A] : memref<64xi32, #tpu.memory_space<vmem>> -> memref<16xi32, #tpu.memory_space<vmem>>
      %dma_start3A_51 = arith.constant 0 : i32
      %dma_start3A_52 = tpu.memref_slice %arg8[%dma_start3A_51] : memref<64xi32, #tpu.memory_space<vmem>> -> memref<16xi32, #tpu.memory_space<vmem>>
      tpu.enqueue_dma source(%arg3 : memref<16xi32, #tpu.memory_space<hbm>>) target(%dma_start3A_52 : memref<16xi32, #tpu.memory_space<vmem>>) target_semaphore(%run_scoped3A : memref<!tpu.dma_semaphore, #tpu.memory_space<semaphore_mem>>)
      %dma_wait3A = arith.constant 0 : i32
      %dma_wait3A_53 = tpu.memref_slice %arg8[%dma_wait3A] : memref<64xi32, #tpu.memory_space<vmem>> -> memref<16xi32, #tpu.memory_space<vmem>>
      %dma_wait3A_54 = arith.constant 0 : i32
      %dma_wait3A_55 = tpu.memref_slice %arg8[%dma_wait3A_54] : memref<64xi32, #tpu.memory_space<vmem>> -> memref<16xi32, #tpu.memory_space<vmem>>
      tpu.wait_dma2 semaphore(%run_scoped3A : memref<!tpu.dma_semaphore, #tpu.memory_space<semaphore_mem>>) src(%arg3 : memref<16xi32, #tpu.memory_space<hbm>>) dst(%dma_wait3A_55 : memref<16xi32, #tpu.memory_space<vmem>>)
      tpu.yield
    }) : () -> ()
    %iota3A = tpu.iota {dimensions = array<i32: 0>} : vector<16xi32>
    %broadcast_in_dim3A = arith.constant 0x7F800000 : f32
    %broadcast_in_dim3A_3 = vector.broadcast %broadcast_in_dim3A : f32 to vector<16xf32>
    %scan3A = arith.constant 0 : i32
    %scan3A_4 = arith.constant 0 : i32
    %scan3A_5 = arith.constant 6 : i32
    %scan3A_6 = arith.addi %scan3A_4, %scan3A_5 : i32
    %scan3A_7 = arith.constant 1 : i32
    %scan3A_8 = scf.for %scan3A_50 = %scan3A_4 to %scan3A_6 step %scan3A_7 iter_args(%scan3A_51 = %scan3A) -> (i32)  : i32 {
      %add3A_52 = arith.constant 10 : i32
      %add3A_53 = arith.addi %add3A_52, %scan3A_50 : i32
      %get3A_54 = arith.index_cast %add3A_53 : i32 to index
      %get3A_55 = tpu.vector_load %arg8[%get3A_54] {strides = array<i32>} : memref<64xi32, #tpu.memory_space<vmem>>, vector<16xi32>,
      %get3A_56 = vector.shape_cast %get3A_55 : vector<16xi32> to vector<16xi32>
      %slice3A_57 = vector.extract_strided_slice %get3A_56 {offsets = [0], sizes = [1], strides = [1]} : vector<16xi32> to vector<1xi32>
      %squeeze3A_58 = vector.extract %slice3A_57[0] : i32 from vector<1xi32>
      %add3A_59 = arith.constant 511 : i32
      %add3A_60 = arith.addi %squeeze3A_58, %add3A_59 : i32
      %jit3A_61 = arith.constant 512 : i32
      %div3A_62 = arith.divsi %add3A_60, %jit3A_61 : i32
      %sign3A_63 = arith.constant 0 : i32
      %sign3A_64 = arith.cmpi sgt, %add3A_60, %sign3A_63 : i32
      %sign3A_65 = arith.extui %sign3A_64 : i1 to i32
      %sign3A_66 = arith.constant 0 : i32
      %sign3A_67 = arith.cmpi slt, %add3A_60, %sign3A_66 : i32
      %sign3A_68 = arith.extui %sign3A_67 : i1 to i32
      %sign3A_69 = arith.subi %sign3A_65, %sign3A_68 : i32
      %sign3A_70 = arith.constant 0 : i32
      %sign3A_71 = arith.cmpi sgt, %jit3A_61, %sign3A_70 : i32
      %sign3A_72 = arith.extui %sign3A_71 : i1 to i32
      %sign3A_73 = arith.constant 0 : i32
      %sign3A_74 = arith.cmpi slt, %jit3A_61, %sign3A_73 : i32
      %sign3A_75 = arith.extui %sign3A_74 : i1 to i32
      %sign3A_76 = arith.subi %sign3A_72, %sign3A_75 : i32
      %ne3A_77 = arith.cmpi ne, %sign3A_69, %sign3A_76 : i32
      %rem3A_78 = arith.remsi %add3A_60, %jit3A_61 : i32
      %ne3A_79 = arith.constant 0 : i32
      %ne3A_80 = arith.cmpi ne, %rem3A_78, %ne3A_79 : i32
      %and3A_81 = arith.andi %ne3A_77, %ne3A_80 : i1
      %sub3A_82 = arith.constant 1 : i32
      %sub3A_83 = arith.subi %div3A_62, %sub3A_82 : i32
      %select_n3A_84 = arith.select %and3A_81, %sub3A_83, %div3A_62 : i32
      %add3A_85 = arith.addi %scan3A_51, %select_n3A_84 : i32
      scf.yield %add3A_85 : i32
    }
    %scan3A_9 = arith.constant 6 : i32
    %get3A = arith.constant 10 : index
    %get3A_10 = tpu.vector_load %arg8[%get3A] {strides = array<i32>} : memref<64xi32, #tpu.memory_space<vmem>>, vector<16xi32>,
    %get3A_11 = vector.shape_cast %get3A_10 : vector<16xi32> to vector<16xi32>
    %slice3A = vector.extract_strided_slice %get3A_11 {offsets = [0], sizes = [1], strides = [1]} : vector<16xi32> to vector<1xi32>
    %squeeze3A = vector.extract %slice3A[0] : i32 from vector<1xi32>
    %add3A_12 = arith.constant 511 : i32
    %add3A_13 = arith.addi %squeeze3A, %add3A_12 : i32
    %jit3A = arith.constant 512 : i32
    %div3A = arith.divsi %add3A_13, %jit3A : i32
    %sign3A = arith.constant 0 : i32
    %sign3A_14 = arith.cmpi sgt, %add3A_13, %sign3A : i32
    %sign3A_15 = arith.extui %sign3A_14 : i1 to i32
    %sign3A_16 = arith.constant 0 : i32
    %sign3A_17 = arith.cmpi slt, %add3A_13, %sign3A_16 : i32
    %sign3A_18 = arith.extui %sign3A_17 : i1 to i32
    %sign3A_19 = arith.subi %sign3A_15, %sign3A_18 : i32
    %sign3A_20 = arith.constant 0 : i32
    %sign3A_21 = arith.cmpi sgt, %jit3A, %sign3A_20 : i32
    %sign3A_22 = arith.extui %sign3A_21 : i1 to i32
    %sign3A_23 = arith.constant 0 : i32
    %sign3A_24 = arith.cmpi slt, %jit3A, %sign3A_23 : i32
    %sign3A_25 = arith.extui %sign3A_24 : i1 to i32
    %sign3A_26 = arith.subi %sign3A_22, %sign3A_25 : i32
    %ne3A = arith.cmpi ne, %sign3A_19, %sign3A_26 : i32
    %rem3A = arith.remsi %add3A_13, %jit3A : i32
    %ne3A_27 = arith.constant 0 : i32
    %ne3A_28 = arith.cmpi ne, %rem3A, %ne3A_27 : i32
    %and3A = arith.andi %ne3A, %ne3A_28 : i1
    %sub3A = arith.constant 1 : i32
    %sub3A_29 = arith.subi %div3A, %sub3A : i32
    %select_n3A = arith.select %and3A, %sub3A_29, %div3A : i32
    %scan3A_30 = arith.constant 10 : i32
    %scan3A_31 = arith.constant 0 : i32
    %scan3A_32 = arith.constant 0 : i32
    %scan3A_33 = arith.constant 7 : i32
    %scan3A_34 = arith.addi %scan3A_32, %scan3A_33 : i32
    %scan3A_35 = arith.constant 1 : i32
    %scan3A_36:4 = scf.for %scan3A_50 = %scan3A_32 to %scan3A_34 step %scan3A_35 iter_args(%scan3A_51 = %scan3A_30, %scan3A_52 = %scan3A_31, %scan3A_53 = %select_n3A, %scan3A_54 = %squeeze3A) -> (i32, i32, i32, i32)  : i32 {
      %lt3A = arith.cmpi slt, %scan3A_50, %scan3A_8 : i32
      %convert_element_type3A = arith.extui %lt3A : i1 to i32
      %cond3A = arith.constant 0 : i32
      %cond3A_55 = arith.cmpi ne, %convert_element_type3A, %cond3A : i32
      scf.if %cond3A_55 {
        %jit3A_96 = arith.constant 8 : i32
        %eq3A_97 = arith.constant 0 : i32
        %eq3A_98 = arith.cmpi eq, %jit3A_96, %eq3A_97 : i32
        %jit3A_99 = arith.constant 1 : i32
        %select_n3A_100 = arith.select %eq3A_98, %jit3A_99, %jit3A_96 : i32
        %rem3A_101 = arith.remsi %scan3A_50, %select_n3A_100 : i32
        %ne3A_102 = arith.constant 0 : i32
        %ne3A_103 = arith.cmpi ne, %rem3A_101, %ne3A_102 : i32
        %lt3A_104 = arith.constant 0 : i32
        %lt3A_105 = arith.cmpi slt, %rem3A_101, %lt3A_104 : i32
        %lt3A_106 = arith.constant 0 : i32
        %lt3A_107 = arith.cmpi slt, %select_n3A_100, %lt3A_106 : i32
        %ne3A_108 = arith.xori %lt3A_105, %lt3A_107 : i1
        %and3A_109 = arith.andi %ne3A_108, %ne3A_103 : i1
        %add3A_110 = arith.addi %rem3A_101, %select_n3A_100 : i32
        %select_n3A_111 = arith.select %and3A_109, %add3A_110, %rem3A_101 : i32
        %mul3A_112 = arith.constant 512 : i32
        %mul3A_113 = arith.muli %scan3A_52, %mul3A_112 : i32
        %dma_start3A = arith.constant 0 : i32
        %dma_start3A_114 = arith.constant 0 : i32
        %dma_start3A_115 = tpu.memref_slice %arg5[%select_n3A_111, %dma_start3A, %dma_start3A_114] : memref<8x16x512xf32, #tpu.memory_space<vmem>> -> memref<1x16x512xf32, #tpu.memory_space<vmem>>
        %dma_start3A_116 = tpu.memref_squeeze %dma_start3A_115 : memref<1x16x512xf32, #tpu.memory_space<vmem>> -> memref<16x512xf32, #tpu.memory_space<vmem>>
        %dma_start3A_117 = tpu.memref_slice %arg2[%scan3A_51, %mul3A_2, %mul3A_113] : memref<16x512x4096xf32, #tpu.memory_space<hbm>> -> memref<1x16x512xf32, #tpu.memory_space<hbm>>
        %dma_start3A_118 = tpu.memref_squeeze %dma_start3A_117 : memref<1x16x512xf32, #tpu.memory_space<hbm>> -> memref<16x512xf32, #tpu.memory_space<hbm>>
        %dma_start3A_119 = tpu.memref_slice %arg9[%select_n3A_111] : memref<8x!tpu.dma_semaphore, #tpu.memory_space<semaphore_mem>> -> memref<1x!tpu.dma_semaphore, #tpu.memory_space<semaphore_mem>>
        %dma_start3A_120 = tpu.memref_squeeze %dma_start3A_119 : memref<1x!tpu.dma_semaphore, #tpu.memory_space<semaphore_mem>> -> memref<!tpu.dma_semaphore, #tpu.memory_space<semaphore_mem>>
        %dma_start3A_121 = arith.constant 0 : i32
        %dma_start3A_122 = arith.constant 0 : i32
        %dma_start3A_123 = tpu.memref_slice %arg5[%select_n3A_111, %dma_start3A_121, %dma_start3A_122] : memref<8x16x512xf32, #tpu.memory_space<vmem>> -> memref<1x16x512xf32, #tpu.memory_space<vmem>>
        %dma_start3A_124 = tpu.memref_squeeze %dma_start3A_123 : memref<1x16x512xf32, #tpu.memory_space<vmem>> -> memref<16x512xf32, #tpu.memory_space<vmem>>
        %dma_start3A_125 = tpu.memref_slice %arg2[%scan3A_51, %mul3A_2, %mul3A_113] : memref<16x512x4096xf32, #tpu.memory_space<hbm>> -> memref<1x16x512xf32, #tpu.memory_space<hbm>>
        %dma_start3A_126 = tpu.memref_squeeze %dma_start3A_125 : memref<1x16x512xf32, #tpu.memory_space<hbm>> -> memref<16x512xf32, #tpu.memory_space<hbm>>
        tpu.enqueue_dma source(%dma_start3A_126 : memref<16x512xf32, #tpu.memory_space<hbm>>) target(%dma_start3A_124 : memref<16x512xf32, #tpu.memory_space<vmem>>) target_semaphore(%dma_start3A_120 : memref<!tpu.dma_semaphore, #tpu.memory_space<semaphore_mem>>)
      } else {
      }
      %add3A_56 = arith.constant 1 : i32
      %add3A_57 = arith.addi %scan3A_52, %add3A_56 : i32
      %eq3A = arith.cmpi eq, %add3A_57, %scan3A_53 : i32
      %convert_element_type3A_58 = arith.extui %eq3A : i1 to i32
      %add3A_59 = arith.addi %scan3A_51, %convert_element_type3A_58 : i32
      %min3A = arith.constant 15 : i32
      %min3A_60 = arith.minsi %add3A_59, %min3A : i32
      %jit3A_61 = arith.constant 0 : i32
      %select_n3A_62 = arith.select %eq3A, %jit3A_61, %add3A_57 : i32
      %get3A_63 = arith.index_cast %min3A_60 : i32 to index
      %get3A_64 = tpu.vector_load %arg8[%get3A_63] {strides = array<i32>} : memref<64xi32, #tpu.memory_space<vmem>>, vector<16xi32>,
      %get3A_65 = vector.shape_cast %get3A_64 : vector<16xi32> to vector<16xi32>
      %slice3A_66 = vector.extract_strided_slice %get3A_65 {offsets = [0], sizes = [1], strides = [1]} : vector<16xi32> to vector<1xi32>
      %squeeze3A_67 = vector.extract %slice3A_66[0] : i32 from vector<1xi32>
      %add3A_68 = arith.constant 511 : i32
      %add3A_69 = arith.addi %squeeze3A_67, %add3A_68 : i32
      %jit3A_70 = arith.constant 512 : i32
      %div3A_71 = arith.divsi %add3A_69, %jit3A_70 : i32
      %sign3A_72 = arith.constant 0 : i32
      %sign3A_73 = arith.cmpi sgt, %add3A_69, %sign3A_72 : i32
      %sign3A_74 = arith.extui %sign3A_73 : i1 to i32
      %sign3A_75 = arith.constant 0 : i32
      %sign3A_76 = arith.cmpi slt, %add3A_69, %sign3A_75 : i32
      %sign3A_77 = arith.extui %sign3A_76 : i1 to i32
      %sign3A_78 = arith.subi %sign3A_74, %sign3A_77 : i32
      %sign3A_79 = arith.constant 0 : i32
      %sign3A_80 = arith.cmpi sgt, %jit3A_70, %sign3A_79 : i32
      %sign3A_81 = arith.extui %sign3A_80 : i1 to i32
      %sign3A_82 = arith.constant 0 : i32
      %sign3A_83 = arith.cmpi slt, %jit3A_70, %sign3A_82 : i32
      %sign3A_84 = arith.extui %sign3A_83 : i1 to i32
      %sign3A_85 = arith.subi %sign3A_81, %sign3A_84 : i32
      %ne3A_86 = arith.cmpi ne, %sign3A_78, %sign3A_85 : i32
      %rem3A_87 = arith.remsi %add3A_69, %jit3A_70 : i32
      %ne3A_88 = arith.constant 0 : i32
      %ne3A_89 = arith.cmpi ne, %rem3A_87, %ne3A_88 : i32
      %and3A_90 = arith.andi %ne3A_86, %ne3A_89 : i1
      %sub3A_91 = arith.constant 1 : i32
      %sub3A_92 = arith.subi %div3A_71, %sub3A_91 : i32
      %select_n3A_93 = arith.select %and3A_90, %sub3A_92, %div3A_71 : i32
      %select_n3A_94 = arith.select %eq3A, %select_n3A_93, %scan3A_53 : i32
      %select_n3A_95 = arith.select %eq3A, %squeeze3A_67, %scan3A_54 : i32
      scf.yield %min3A_60, %select_n3A_62, %select_n3A_94, %select_n3A_95 : i32, i32, i32, i32
    }
    %scan3A_37 = arith.constant 7 : i32
    %while3A = arith.constant 0 : i32
    %while3A_38 = arith.constant 10 : i32
    %while3A_39 = arith.constant 0 : i32
    %while3A_40 = arith.subi %scan3A_8, %while3A : i32
    %while3A_41 = arith.addi %while3A, %while3A_40 : i32
    %while3A_42 = arith.constant 1 : i32
    %while3A_43 = arith.divsi %while3A_40, %while3A_42 : i32
    %while3A_44 = arith.muli %while3A_43, %while3A_42 : i32
    %while3A_45 = arith.addi %while3A, %while3A_44 : i32
    %while3A_46 = arith.constant 1 : i32
    %while3A_47:8 = scf.for %while3A_50 = %while3A to %while3A_45 step %while3A_46 iter_args(%while3A_51 = %while3A_38, %while3A_52 = %while3A_39, %while3A_53 = %select_n3A, %while3A_54 = %squeeze3A, %while3A_55 = %scan3A_36#0, %while3A_56 = %scan3A_36#1, %while3A_57 = %scan3A_36#2, %while3A_58 = %scan3A_36#3) -> (i32, i32, i32, i32, i32, i32, i32, i32)  : i32 {
      %add3A_59 = arith.constant 7 : i32
      %add3A_60 = arith.addi %while3A_50, %add3A_59 : i32
      %lt3A = arith.cmpi slt, %add3A_60, %scan3A_8 : i32
      %convert_element_type3A = arith.extui %lt3A : i1 to i32
      %cond3A = arith.constant 0 : i32
      %cond3A_61 = arith.cmpi ne, %convert_element_type3A, %cond3A : i32
      scf.if %cond3A_61 {
        %add3A_240 = arith.constant 7 : i32
        %add3A_241 = arith.addi %while3A_50, %add3A_240 : i32
        %jit3A_242 = arith.constant 8 : i32
        %eq3A_243 = arith.constant 0 : i32
        %eq3A_244 = arith.cmpi eq, %jit3A_242, %eq3A_243 : i32
        %jit3A_245 = arith.constant 1 : i32
        %select_n3A_246 = arith.select %eq3A_244, %jit3A_245, %jit3A_242 : i32
        %rem3A_247 = arith.remsi %add3A_241, %select_n3A_246 : i32
        %ne3A_248 = arith.constant 0 : i32
        %ne3A_249 = arith.cmpi ne, %rem3A_247, %ne3A_248 : i32
        %lt3A_250 = arith.constant 0 : i32
        %lt3A_251 = arith.cmpi slt, %rem3A_247, %lt3A_250 : i32
        %lt3A_252 = arith.constant 0 : i32
        %lt3A_253 = arith.cmpi slt, %select_n3A_246, %lt3A_252 : i32
        %ne3A_254 = arith.xori %lt3A_251, %lt3A_253 : i1
        %and3A_255 = arith.andi %ne3A_254, %ne3A_249 : i1
        %add3A_256 = arith.addi %rem3A_247, %select_n3A_246 : i32
        %select_n3A_257 = arith.select %and3A_255, %add3A_256, %rem3A_247 : i32
        %mul3A_258 = arith.constant 512 : i32
        %mul3A_259 = arith.muli %while3A_56, %mul3A_258 : i32
        %dma_start3A = arith.constant 0 : i32
        %dma_start3A_260 = arith.constant 0 : i32
        %dma_start3A_261 = tpu.memref_slice %arg5[%select_n3A_257, %dma_start3A, %dma_start3A_260] : memref<8x16x512xf32, #tpu.memory_space<vmem>> -> memref<1x16x512xf32, #tpu.memory_space<vmem>>
        %dma_start3A_262 = tpu.memref_squeeze %dma_start3A_261 : memref<1x16x512xf32, #tpu.memory_space<vmem>> -> memref<16x512xf32, #tpu.memory_space<vmem>>
        %dma_start3A_263 = tpu.memref_slice %arg2[%while3A_55, %mul3A_2, %mul3A_259] : memref<16x512x4096xf32, #tpu.memory_space<hbm>> -> memref<1x16x512xf32, #tpu.memory_space<hbm>>
        %dma_start3A_264 = tpu.memref_squeeze %dma_start3A_263 : memref<1x16x512xf32, #tpu.memory_space<hbm>> -> memref<16x512xf32, #tpu.memory_space<hbm>>
        %dma_start3A_265 = tpu.memref_slice %arg9[%select_n3A_257] : memref<8x!tpu.dma_semaphore, #tpu.memory_space<semaphore_mem>> -> memref<1x!tpu.dma_semaphore, #tpu.memory_space<semaphore_mem>>
        %dma_start3A_266 = tpu.memref_squeeze %dma_start3A_265 : memref<1x!tpu.dma_semaphore, #tpu.memory_space<semaphore_mem>> -> memref<!tpu.dma_semaphore, #tpu.memory_space<semaphore_mem>>
        %dma_start3A_267 = arith.constant 0 : i32
        %dma_start3A_268 = arith.constant 0 : i32
        %dma_start3A_269 = tpu.memref_slice %arg5[%select_n3A_257, %dma_start3A_267, %dma_start3A_268] : memref<8x16x512xf32, #tpu.memory_space<vmem>> -> memref<1x16x512xf32, #tpu.memory_space<vmem>>
        %dma_start3A_270 = tpu.memref_squeeze %dma_start3A_269 : memref<1x16x512xf32, #tpu.memory_space<vmem>> -> memref<16x512xf32, #tpu.memory_space<vmem>>
        %dma_start3A_271 = tpu.memref_slice %arg2[%while3A_55, %mul3A_2, %mul3A_259] : memref<16x512x4096xf32, #tpu.memory_space<hbm>> -> memref<1x16x512xf32, #tpu.memory_space<hbm>>
        %dma_start3A_272 = tpu.memref_squeeze %dma_start3A_271 : memref<1x16x512xf32, #tpu.memory_space<hbm>> -> memref<16x512xf32, #tpu.memory_space<hbm>>
        tpu.enqueue_dma source(%dma_start3A_272 : memref<16x512xf32, #tpu.memory_space<hbm>>) target(%dma_start3A_270 : memref<16x512xf32, #tpu.memory_space<vmem>>) target_semaphore(%dma_start3A_266 : memref<!tpu.dma_semaphore, #tpu.memory_space<semaphore_mem>>)
      } else {
      }
      %add3A_62 = arith.constant 1 : i32
      %add3A_63 = arith.addi %while3A_56, %add3A_62 : i32
      %eq3A = arith.cmpi eq, %add3A_63, %while3A_57 : i32
      %convert_element_type3A_64 = arith.extui %eq3A : i1 to i32
      %add3A_65 = arith.addi %while3A_55, %convert_element_type3A_64 : i32
      %min3A = arith.constant 15 : i32
      %min3A_66 = arith.minsi %add3A_65, %min3A : i32
      %jit3A_67 = arith.constant 0 : i32
      %select_n3A_68 = arith.select %eq3A, %jit3A_67, %add3A_63 : i32
      %get3A_69 = arith.index_cast %min3A_66 : i32 to index
      %get3A_70 = tpu.vector_load %arg8[%get3A_69] {strides = array<i32>} : memref<64xi32, #tpu.memory_space<vmem>>, vector<16xi32>,
      %get3A_71 = vector.shape_cast %get3A_70 : vector<16xi32> to vector<16xi32>
      %slice3A_72 = vector.extract_strided_slice %get3A_71 {offsets = [0], sizes = [1], strides = [1]} : vector<16xi32> to vector<1xi32>
      %squeeze3A_73 = vector.extract %slice3A_72[0] : i32 from vector<1xi32>
      %add3A_74 = arith.constant 511 : i32
      %add3A_75 = arith.addi %squeeze3A_73, %add3A_74 : i32
      %jit3A_76 = arith.constant 512 : i32
      %div3A_77 = arith.divsi %add3A_75, %jit3A_76 : i32
      %sign3A_78 = arith.constant 0 : i32
      %sign3A_79 = arith.cmpi sgt, %add3A_75, %sign3A_78 : i32
      %sign3A_80 = arith.extui %sign3A_79 : i1 to i32
      %sign3A_81 = arith.constant 0 : i32
      %sign3A_82 = arith.cmpi slt, %add3A_75, %sign3A_81 : i32
      %sign3A_83 = arith.extui %sign3A_82 : i1 to i32
      %sign3A_84 = arith.subi %sign3A_80, %sign3A_83 : i32
      %sign3A_85 = arith.constant 0 : i32
      %sign3A_86 = arith.cmpi sgt, %jit3A_76, %sign3A_85 : i32
      %sign3A_87 = arith.extui %sign3A_86 : i1 to i32
      %sign3A_88 = arith.constant 0 : i32
      %sign3A_89 = arith.cmpi slt, %jit3A_76, %sign3A_88 : i32
      %sign3A_90 = arith.extui %sign3A_89 : i1 to i32
      %sign3A_91 = arith.subi %sign3A_87, %sign3A_90 : i32
      %ne3A_92 = arith.cmpi ne, %sign3A_84, %sign3A_91 : i32
      %rem3A_93 = arith.remsi %add3A_75, %jit3A_76 : i32
      %ne3A_94 = arith.constant 0 : i32
      %ne3A_95 = arith.cmpi ne, %rem3A_93, %ne3A_94 : i32
      %and3A_96 = arith.andi %ne3A_92, %ne3A_95 : i1
      %sub3A_97 = arith.constant 1 : i32
      %sub3A_98 = arith.subi %div3A_77, %sub3A_97 : i32
      %select_n3A_99 = arith.select %and3A_96, %sub3A_98, %div3A_77 : i32
      %select_n3A_100 = arith.select %eq3A, %select_n3A_99, %while3A_57 : i32
      %select_n3A_101 = arith.select %eq3A, %squeeze3A_73, %while3A_58 : i32
      %jit3A_102 = arith.constant 8 : i32
      %eq3A_103 = arith.constant 0 : i32
      %eq3A_104 = arith.cmpi eq, %jit3A_102, %eq3A_103 : i32
      %jit3A_105 = arith.constant 1 : i32
      %select_n3A_106 = arith.select %eq3A_104, %jit3A_105, %jit3A_102 : i32
      %rem3A_107 = arith.remsi %while3A_50, %select_n3A_106 : i32
      %ne3A_108 = arith.constant 0 : i32
      %ne3A_109 = arith.cmpi ne, %rem3A_107, %ne3A_108 : i32
      %lt3A_110 = arith.constant 0 : i32
      %lt3A_111 = arith.cmpi slt, %rem3A_107, %lt3A_110 : i32
      %lt3A_112 = arith.constant 0 : i32
      %lt3A_113 = arith.cmpi slt, %select_n3A_106, %lt3A_112 : i32
      %ne3A_114 = arith.xori %lt3A_111, %lt3A_113 : i1
      %and3A_115 = arith.andi %ne3A_114, %ne3A_109 : i1
      %add3A_116 = arith.addi %rem3A_107, %select_n3A_106 : i32
      %select_n3A_117 = arith.select %and3A_115, %add3A_116, %rem3A_107 : i32
      %mul3A_118 = arith.constant 512 : i32
      %mul3A_119 = arith.muli %while3A_52, %mul3A_118 : i32
      %dma_wait3A = arith.constant 0 : i32
      %dma_wait3A_120 = arith.constant 0 : i32
      %dma_wait3A_121 = tpu.memref_slice %arg5[%select_n3A_117, %dma_wait3A, %dma_wait3A_120] : memref<8x16x512xf32, #tpu.memory_space<vmem>> -> memref<1x16x512xf32, #tpu.memory_space<vmem>>
      %dma_wait3A_122 = tpu.memref_squeeze %dma_wait3A_121 : memref<1x16x512xf32, #tpu.memory_space<vmem>> -> memref<16x512xf32, #tpu.memory_space<vmem>>
      %dma_wait3A_123 = tpu.memref_slice %arg2[%while3A_51, %mul3A_2, %mul3A_119] : memref<16x512x4096xf32, #tpu.memory_space<hbm>> -> memref<1x16x512xf32, #tpu.memory_space<hbm>>
      %dma_wait3A_124 = tpu.memref_squeeze %dma_wait3A_123 : memref<1x16x512xf32, #tpu.memory_space<hbm>> -> memref<16x512xf32, #tpu.memory_space<hbm>>
      %dma_wait3A_125 = tpu.memref_slice %arg9[%select_n3A_117] : memref<8x!tpu.dma_semaphore, #tpu.memory_space<semaphore_mem>> -> memref<1x!tpu.dma_semaphore, #tpu.memory_space<semaphore_mem>>
      %dma_wait3A_126 = tpu.memref_squeeze %dma_wait3A_125 : memref<1x!tpu.dma_semaphore, #tpu.memory_space<semaphore_mem>> -> memref<!tpu.dma_semaphore, #tpu.memory_space<semaphore_mem>>
      %dma_wait3A_127 = arith.constant 0 : i32
      %dma_wait3A_128 = arith.constant 0 : i32
      %dma_wait3A_129 = tpu.memref_slice %arg5[%select_n3A_117, %dma_wait3A_127, %dma_wait3A_128] : memref<8x16x512xf32, #tpu.memory_space<vmem>> -> memref<1x16x512xf32, #tpu.memory_space<vmem>>
      %dma_wait3A_130 = tpu.memref_squeeze %dma_wait3A_129 : memref<1x16x512xf32, #tpu.memory_space<vmem>> -> memref<16x512xf32, #tpu.memory_space<vmem>>
      %dma_wait3A_131 = tpu.memref_slice %arg2[%while3A_51, %mul3A_2, %mul3A_119] : memref<16x512x4096xf32, #tpu.memory_space<hbm>> -> memref<1x16x512xf32, #tpu.memory_space<hbm>>
      %dma_wait3A_132 = tpu.memref_squeeze %dma_wait3A_131 : memref<1x16x512xf32, #tpu.memory_space<hbm>> -> memref<16x512xf32, #tpu.memory_space<hbm>>
      tpu.wait_dma2 semaphore(%dma_wait3A_126 : memref<!tpu.dma_semaphore, #tpu.memory_space<semaphore_mem>>) src(%dma_wait3A_132 : memref<16x512xf32, #tpu.memory_space<hbm>>) dst(%dma_wait3A_130 : memref<16x512xf32, #tpu.memory_space<vmem>>)
      %jit3A_133 = arith.constant 8 : i32
      %eq3A_134 = arith.constant 0 : i32
      %eq3A_135 = arith.cmpi eq, %jit3A_133, %eq3A_134 : i32
      %jit3A_136 = arith.constant 1 : i32
      %select_n3A_137 = arith.select %eq3A_135, %jit3A_136, %jit3A_133 : i32
      %rem3A_138 = arith.remsi %while3A_50, %select_n3A_137 : i32
      %ne3A_139 = arith.constant 0 : i32
      %ne3A_140 = arith.cmpi ne, %rem3A_138, %ne3A_139 : i32
      %lt3A_141 = arith.constant 0 : i32
      %lt3A_142 = arith.cmpi slt, %rem3A_138, %lt3A_141 : i32
      %lt3A_143 = arith.constant 0 : i32
      %lt3A_144 = arith.cmpi slt, %select_n3A_137, %lt3A_143 : i32
      %ne3A_145 = arith.xori %lt3A_142, %lt3A_144 : i1
      %and3A_146 = arith.andi %ne3A_145, %ne3A_140 : i1
      %add3A_147 = arith.addi %rem3A_138, %select_n3A_137 : i32
      %select_n3A_148 = arith.select %and3A_146, %add3A_147, %rem3A_138 : i32
      %mul3A_149 = arith.constant 512 : i32
      %mul3A_150 = arith.muli %while3A_52, %mul3A_149 : i32
      %sub3A_151 = arith.subi %while3A_54, %mul3A_150 : i32
      %min3A_152 = arith.constant 512 : i32
      %min3A_153 = arith.minsi %min3A_152, %sub3A_151 : i32
      %jit3A_154 = arith.constant 128 : i32
      %div3A_155 = arith.divsi %min3A_153, %jit3A_154 : i32
      %sign3A_156 = arith.constant 0 : i32
      %sign3A_157 = arith.cmpi sgt, %min3A_153, %sign3A_156 : i32
      %sign3A_158 = arith.extui %sign3A_157 : i1 to i32
      %sign3A_159 = arith.constant 0 : i32
      %sign3A_160 = arith.cmpi slt, %min3A_153, %sign3A_159 : i32
      %sign3A_161 = arith.extui %sign3A_160 : i1 to i32
      %sign3A_162 = arith.subi %sign3A_158, %sign3A_161 : i32
      %sign3A_163 = arith.constant 0 : i32
      %sign3A_164 = arith.cmpi sgt, %jit3A_154, %sign3A_163 : i32
      %sign3A_165 = arith.extui %sign3A_164 : i1 to i32
      %sign3A_166 = arith.constant 0 : i32
      %sign3A_167 = arith.cmpi slt, %jit3A_154, %sign3A_166 : i32
      %sign3A_168 = arith.extui %sign3A_167 : i1 to i32
      %sign3A_169 = arith.subi %sign3A_165, %sign3A_168 : i32
      %ne3A_170 = arith.cmpi ne, %sign3A_162, %sign3A_169 : i32
      %rem3A_171 = arith.remsi %min3A_153, %jit3A_154 : i32
      %ne3A_172 = arith.constant 0 : i32
      %ne3A_173 = arith.cmpi ne, %rem3A_171, %ne3A_172 : i32
      %and3A_174 = arith.andi %ne3A_170, %ne3A_173 : i1
      %sub3A_175 = arith.constant 1 : i32
      %sub3A_176 = arith.subi %div3A_155, %sub3A_175 : i32
      %select_n3A_177 = arith.select %and3A_174, %sub3A_176, %div3A_155 : i32
      %mul3A_178 = arith.constant 128 : i32
      %mul3A_179 = arith.muli %select_n3A_177, %mul3A_178 : i32
      %sub3A_180 = arith.subi %min3A_153, %mul3A_179 : i32
      %eq3A_181 = arith.constant 0 : i32
      %eq3A_182 = arith.cmpi eq, %while3A_52, %eq3A_181 : i32
      %convert_element_type3A_183 = arith.extui %eq3A_182 : i1 to i32
      %cond3A_184 = arith.constant 0 : i32
      %cond3A_185 = arith.cmpi ne, %convert_element_type3A_183, %cond3A_184 : i32
      scf.if %cond3A_185 {
        %scan3A_240 = arith.constant 0 : i32
        %scan3A_241 = arith.constant 0 : i32
        %scan3A_242 = arith.constant 16 : i32
        %scan3A_243 = arith.addi %scan3A_241, %scan3A_242 : i32
        %scan3A_244 = arith.constant 1 : i32
        scf.for %scan3A_246 = %scan3A_241 to %scan3A_243 step %scan3A_244  : i32 {
          %swap3A = arith.index_cast %scan3A_246 : i32 to index
          %swap3A_247 = arith.constant 0 : index
          %swap3A_248 = tpu.vector_load %arg6[%swap3A, %swap3A_247] {strides = array<i32>} : memref<16x16xf32, #tpu.memory_space<vmem>>, vector<1x16xf32>,
          %swap3A_249 = vector.shape_cast %swap3A_248 : vector<1x16xf32> to vector<16xf32>
          %swap3A_250 = vector.shape_cast %broadcast_in_dim3A_3 : vector<16xf32> to vector<1x16xf32>
          tpu.vector_store %arg6[%swap3A, %swap3A_247], %swap3A_250 {strides = array<i32>} : memref<16x16xf32, #tpu.memory_space<vmem>>, vector<1x16xf32>,
        }
        %scan3A_245 = arith.constant 16 : i32
      } else {
      }
      %scan3A_186 = arith.constant 0 : i32
      %scan3A_187 = arith.constant 0 : i32
      %scan3A_188 = arith.constant 16 : i32
      %scan3A_189 = arith.addi %scan3A_187, %scan3A_188 : i32
      %scan3A_190 = arith.constant 1 : i32
      scf.for %scan3A_240 = %scan3A_187 to %scan3A_189 step %scan3A_190  : i32 {
        %get3A_241 = arith.index_cast %scan3A_240 : i32 to index
        %get3A_242 = arith.constant 0 : index
        %get3A_243 = tpu.vector_load %arg6[%get3A_241, %get3A_242] {strides = array<i32>} : memref<16x16xf32, #tpu.memory_space<vmem>>, vector<1x16xf32>,
        %get3A_244 = vector.shape_cast %get3A_243 : vector<1x16xf32> to vector<16xf32>
        %while3A_245 = arith.constant 0 : i32
        %while3A_246 = arith.subi %select_n3A_177, %while3A_245 : i32
        %while3A_247 = arith.addi %while3A_245, %while3A_246 : i32
        %while3A_248 = arith.constant 1 : i32
        %while3A_249 = arith.divsi %while3A_246, %while3A_248 : i32
        %while3A_250 = arith.muli %while3A_249, %while3A_248 : i32
        %while3A_251 = arith.addi %while3A_245, %while3A_250 : i32
        %while3A_252 = arith.constant 1 : i32
        %while3A_253 = scf.for %while3A_265 = %while3A_245 to %while3A_251 step %while3A_252 iter_args(%while3A_266 = %get3A_244) -> (vector<16xf32>)  : i32 {
          %mul3A_267 = arith.constant 128 : i32
          %mul3A_268 = arith.muli %while3A_265, %mul3A_267 : i32
          %add3A_269 = arith.constant 0 : i32
          %add3A_270 = arith.addi %mul3A_268, %add3A_269 : i32
          %get3A_271 = arith.index_cast %select_n3A_148 : i32 to index
          %get3A_272 = arith.index_cast %scan3A_240 : i32 to index
          %get3A_273 = arith.index_cast %add3A_270 : i32 to index
          %get3A_274 = tpu.vector_load %arg5[%get3A_271, %get3A_272, %get3A_273] {strides = array<i32>} : memref<8x16x512xf32, #tpu.memory_space<vmem>>, vector<1x1x16xf32>,
          %get3A_275 = vector.shape_cast %get3A_274 : vector<1x1x16xf32> to vector<16xf32>
          %min3A_276 = arith.minimumf %while3A_266, %get3A_275 : vector<16xf32>
          %add3A_277 = arith.constant 16 : i32
          %add3A_278 = arith.addi %mul3A_268, %add3A_277 : i32
          %get3A_279 = arith.index_cast %select_n3A_148 : i32 to index
          %get3A_280 = arith.index_cast %scan3A_240 : i32 to index
          %get3A_281 = arith.index_cast %add3A_278 : i32 to index
          %get3A_282 = tpu.vector_load %arg5[%get3A_279, %get3A_280, %get3A_281] {strides = array<i32>} : memref<8x16x512xf32, #tpu.memory_space<vmem>>, vector<1x1x16xf32>,
          %get3A_283 = vector.shape_cast %get3A_282 : vector<1x1x16xf32> to vector<16xf32>
          %min3A_284 = arith.minimumf %min3A_276, %get3A_283 : vector<16xf32>
          %add3A_285 = arith.constant 32 : i32
          %add3A_286 = arith.addi %mul3A_268, %add3A_285 : i32
          %get3A_287 = arith.index_cast %select_n3A_148 : i32 to index
          %get3A_288 = arith.index_cast %scan3A_240 : i32 to index
          %get3A_289 = arith.index_cast %add3A_286 : i32 to index
          %get3A_290 = tpu.vector_load %arg5[%get3A_287, %get3A_288, %get3A_289] {strides = array<i32>} : memref<8x16x512xf32, #tpu.memory_space<vmem>>, vector<1x1x16xf32>,
          %get3A_291 = vector.shape_cast %get3A_290 : vector<1x1x16xf32> to vector<16xf32>
          %min3A_292 = arith.minimumf %min3A_284, %get3A_291 : vector<16xf32>
          %add3A_293 = arith.constant 48 : i32
          %add3A_294 = arith.addi %mul3A_268, %add3A_293 : i32
          %get3A_295 = arith.index_cast %select_n3A_148 : i32 to index
          %get3A_296 = arith.index_cast %scan3A_240 : i32 to index
          %get3A_297 = arith.index_cast %add3A_294 : i32 to index
          %get3A_298 = tpu.vector_load %arg5[%get3A_295, %get3A_296, %get3A_297] {strides = array<i32>} : memref<8x16x512xf32, #tpu.memory_space<vmem>>, vector<1x1x16xf32>,
          %get3A_299 = vector.shape_cast %get3A_298 : vector<1x1x16xf32> to vector<16xf32>
          %min3A_300 = arith.minimumf %min3A_292, %get3A_299 : vector<16xf32>
          %add3A_301 = arith.constant 64 : i32
          %add3A_302 = arith.addi %mul3A_268, %add3A_301 : i32
          %get3A_303 = arith.index_cast %select_n3A_148 : i32 to index
          %get3A_304 = arith.index_cast %scan3A_240 : i32 to index
          %get3A_305 = arith.index_cast %add3A_302 : i32 to index
          %get3A_306 = tpu.vector_load %arg5[%get3A_303, %get3A_304, %get3A_305] {strides = array<i32>} : memref<8x16x512xf32, #tpu.memory_space<vmem>>, vector<1x1x16xf32>,
          %get3A_307 = vector.shape_cast %get3A_306 : vector<1x1x16xf32> to vector<16xf32>
          %min3A_308 = arith.minimumf %min3A_300, %get3A_307 : vector<16xf32>
          %add3A_309 = arith.constant 80 : i32
          %add3A_310 = arith.addi %mul3A_268, %add3A_309 : i32
          %get3A_311 = arith.index_cast %select_n3A_148 : i32 to index
          %get3A_312 = arith.index_cast %scan3A_240 : i32 to index
          %get3A_313 = arith.index_cast %add3A_310 : i32 to index
          %get3A_314 = tpu.vector_load %arg5[%get3A_311, %get3A_312, %get3A_313] {strides = array<i32>} : memref<8x16x512xf32, #tpu.memory_space<vmem>>, vector<1x1x16xf32>,
          %get3A_315 = vector.shape_cast %get3A_314 : vector<1x1x16xf32> to vector<16xf32>
          %min3A_316 = arith.minimumf %min3A_308, %get3A_315 : vector<16xf32>
          %add3A_317 = arith.constant 96 : i32
          %add3A_318 = arith.addi %mul3A_268, %add3A_317 : i32
          %get3A_319 = arith.index_cast %select_n3A_148 : i32 to index
          %get3A_320 = arith.index_cast %scan3A_240 : i32 to index
          %get3A_321 = arith.index_cast %add3A_318 : i32 to index
          %get3A_322 = tpu.vector_load %arg5[%get3A_319, %get3A_320, %get3A_321] {strides = array<i32>} : memref<8x16x512xf32, #tpu.memory_space<vmem>>, vector<1x1x16xf32>,
          %get3A_323 = vector.shape_cast %get3A_322 : vector<1x1x16xf32> to vector<16xf32>
          %min3A_324 = arith.minimumf %min3A_316, %get3A_323 : vector<16xf32>
          %add3A_325 = arith.constant 112 : i32
          %add3A_326 = arith.addi %mul3A_268, %add3A_325 : i32
          %get3A_327 = arith.index_cast %select_n3A_148 : i32 to index
          %get3A_328 = arith.index_cast %scan3A_240 : i32 to index
          %get3A_329 = arith.index_cast %add3A_326 : i32 to index
          %get3A_330 = tpu.vector_load %arg5[%get3A_327, %get3A_328, %get3A_329] {strides = array<i32>} : memref<8x16x512xf32, #tpu.memory_space<vmem>>, vector<1x1x16xf32>,
          %get3A_331 = vector.shape_cast %get3A_330 : vector<1x1x16xf32> to vector<16xf32>
          %min3A_332 = arith.minimumf %min3A_324, %get3A_331 : vector<16xf32>
          scf.yield %min3A_332 : vector<16xf32>
        }
        %while3A_254 = arith.constant 1 : i32
        %while3A_255 = scf.for %while3A_265 = %while3A_251 to %while3A_247 step %while3A_254 iter_args(%while3A_266 = %while3A_253) -> (vector<16xf32>)  : i32 {
          %mul3A_267 = arith.constant 128 : i32
          %mul3A_268 = arith.muli %while3A_265, %mul3A_267 : i32
          %add3A_269 = arith.constant 0 : i32
          %add3A_270 = arith.addi %mul3A_268, %add3A_269 : i32
          %get3A_271 = arith.index_cast %select_n3A_148 : i32 to index
          %get3A_272 = arith.index_cast %scan3A_240 : i32 to index
          %get3A_273 = arith.index_cast %add3A_270 : i32 to index
          %get3A_274 = tpu.vector_load %arg5[%get3A_271, %get3A_272, %get3A_273] {strides = array<i32>} : memref<8x16x512xf32, #tpu.memory_space<vmem>>, vector<1x1x16xf32>,
          %get3A_275 = vector.shape_cast %get3A_274 : vector<1x1x16xf32> to vector<16xf32>
          %min3A_276 = arith.minimumf %while3A_266, %get3A_275 : vector<16xf32>
          %add3A_277 = arith.constant 16 : i32
          %add3A_278 = arith.addi %mul3A_268, %add3A_277 : i32
          %get3A_279 = arith.index_cast %select_n3A_148 : i32 to index
          %get3A_280 = arith.index_cast %scan3A_240 : i32 to index
          %get3A_281 = arith.index_cast %add3A_278 : i32 to index
          %get3A_282 = tpu.vector_load %arg5[%get3A_279, %get3A_280, %get3A_281] {strides = array<i32>} : memref<8x16x512xf32, #tpu.memory_space<vmem>>, vector<1x1x16xf32>,
          %get3A_283 = vector.shape_cast %get3A_282 : vector<1x1x16xf32> to vector<16xf32>
          %min3A_284 = arith.minimumf %min3A_276, %get3A_283 : vector<16xf32>
          %add3A_285 = arith.constant 32 : i32
          %add3A_286 = arith.addi %mul3A_268, %add3A_285 : i32
          %get3A_287 = arith.index_cast %select_n3A_148 : i32 to index
          %get3A_288 = arith.index_cast %scan3A_240 : i32 to index
          %get3A_289 = arith.index_cast %add3A_286 : i32 to index
          %get3A_290 = tpu.vector_load %arg5[%get3A_287, %get3A_288, %get3A_289] {strides = array<i32>} : memref<8x16x512xf32, #tpu.memory_space<vmem>>, vector<1x1x16xf32>,
          %get3A_291 = vector.shape_cast %get3A_290 : vector<1x1x16xf32> to vector<16xf32>
          %min3A_292 = arith.minimumf %min3A_284, %get3A_291 : vector<16xf32>
          %add3A_293 = arith.constant 48 : i32
          %add3A_294 = arith.addi %mul3A_268, %add3A_293 : i32
          %get3A_295 = arith.index_cast %select_n3A_148 : i32 to index
          %get3A_296 = arith.index_cast %scan3A_240 : i32 to index
          %get3A_297 = arith.index_cast %add3A_294 : i32 to index
          %get3A_298 = tpu.vector_load %arg5[%get3A_295, %get3A_296, %get3A_297] {strides = array<i32>} : memref<8x16x512xf32, #tpu.memory_space<vmem>>, vector<1x1x16xf32>,
          %get3A_299 = vector.shape_cast %get3A_298 : vector<1x1x16xf32> to vector<16xf32>
          %min3A_300 = arith.minimumf %min3A_292, %get3A_299 : vector<16xf32>
          %add3A_301 = arith.constant 64 : i32
          %add3A_302 = arith.addi %mul3A_268, %add3A_301 : i32
          %get3A_303 = arith.index_cast %select_n3A_148 : i32 to index
          %get3A_304 = arith.index_cast %scan3A_240 : i32 to index
          %get3A_305 = arith.index_cast %add3A_302 : i32 to index
          %get3A_306 = tpu.vector_load %arg5[%get3A_303, %get3A_304, %get3A_305] {strides = array<i32>} : memref<8x16x512xf32, #tpu.memory_space<vmem>>, vector<1x1x16xf32>,
          %get3A_307 = vector.shape_cast %get3A_306 : vector<1x1x16xf32> to vector<16xf32>
          %min3A_308 = arith.minimumf %min3A_300, %get3A_307 : vector<16xf32>
          %add3A_309 = arith.constant 80 : i32
          %add3A_310 = arith.addi %mul3A_268, %add3A_309 : i32
          %get3A_311 = arith.index_cast %select_n3A_148 : i32 to index
          %get3A_312 = arith.index_cast %scan3A_240 : i32 to index
          %get3A_313 = arith.index_cast %add3A_310 : i32 to index
          %get3A_314 = tpu.vector_load %arg5[%get3A_311, %get3A_312, %get3A_313] {strides = array<i32>} : memref<8x16x512xf32, #tpu.memory_space<vmem>>, vector<1x1x16xf32>,
          %get3A_315 = vector.shape_cast %get3A_314 : vector<1x1x16xf32> to vector<16xf32>
          %min3A_316 = arith.minimumf %min3A_308, %get3A_315 : vector<16xf32>
          %add3A_317 = arith.constant 96 : i32
          %add3A_318 = arith.addi %mul3A_268, %add3A_317 : i32
          %get3A_319 = arith.index_cast %select_n3A_148 : i32 to index
          %get3A_320 = arith.index_cast %scan3A_240 : i32 to index
          %get3A_321 = arith.index_cast %add3A_318 : i32 to index
          %get3A_322 = tpu.vector_load %arg5[%get3A_319, %get3A_320, %get3A_321] {strides = array<i32>} : memref<8x16x512xf32, #tpu.memory_space<vmem>>, vector<1x1x16xf32>,
          %get3A_323 = vector.shape_cast %get3A_322 : vector<1x1x16xf32> to vector<16xf32>
          %min3A_324 = arith.minimumf %min3A_316, %get3A_323 : vector<16xf32>
          %add3A_325 = arith.constant 112 : i32
          %add3A_326 = arith.addi %mul3A_268, %add3A_325 : i32
          %get3A_327 = arith.index_cast %select_n3A_148 : i32 to index
          %get3A_328 = arith.index_cast %scan3A_240 : i32 to index
          %get3A_329 = arith.index_cast %add3A_326 : i32 to index
          %get3A_330 = tpu.vector_load %arg5[%get3A_327, %get3A_328, %get3A_329] {strides = array<i32>} : memref<8x16x512xf32, #tpu.memory_space<vmem>>, vector<1x1x16xf32>,
          %get3A_331 = vector.shape_cast %get3A_330 : vector<1x1x16xf32> to vector<16xf32>
          %min3A_332 = arith.minimumf %min3A_324, %get3A_331 : vector<16xf32>
          scf.yield %min3A_332 : vector<16xf32>
        }
        %gt3A = arith.constant 0 : i32
        %gt3A_256 = arith.cmpi sgt, %sub3A_180, %gt3A : i32
        %convert_element_type3A_257 = arith.extui %gt3A_256 : i1 to i32
        %cond3A_258 = arith.constant 0 : i32
        %cond3A_259 = arith.cmpi ne, %convert_element_type3A_257, %cond3A_258 : i32
        scf.if %cond3A_259 {
          %mul3A_265 = arith.constant 128 : i32
          %mul3A_266 = arith.muli %select_n3A_177, %mul3A_265 : i32
          %add3A_267 = arith.constant 0 : i32
          %add3A_268 = arith.addi %mul3A_266, %add3A_267 : i32
          %get3A_269 = arith.index_cast %select_n3A_148 : i32 to index
          %get3A_270 = arith.index_cast %scan3A_240 : i32 to index
          %get3A_271 = arith.index_cast %add3A_268 : i32 to index
          %get3A_272 = tpu.vector_load %arg5[%get3A_269, %get3A_270, %get3A_271] {strides = array<i32>} : memref<8x16x512xf32, #tpu.memory_space<vmem>>, vector<1x1x16xf32>,
          %get3A_273 = vector.shape_cast %get3A_272 : vector<1x1x16xf32> to vector<16xf32>
          %sub3A_274 = arith.constant 0 : i32
          %sub3A_275 = arith.subi %sub3A_180, %sub3A_274 : i32
          %lt3A_276 = vector.broadcast %sub3A_275 : i32 to vector<16xi32>
          %lt3A_277 = arith.cmpi slt, %iota3A, %lt3A_276 : vector<16xi32>
          %select_n3A_278 = arith.select %lt3A_277, %get3A_273, %broadcast_in_dim3A_3 : vector<16xi1>, vector<16xf32>
          %min3A_279 = arith.minimumf %while3A_255, %select_n3A_278 : vector<16xf32>
          %add3A_280 = arith.constant 16 : i32
          %add3A_281 = arith.addi %mul3A_266, %add3A_280 : i32
          %get3A_282 = arith.index_cast %select_n3A_148 : i32 to index
          %get3A_283 = arith.index_cast %scan3A_240 : i32 to index
          %get3A_284 = arith.index_cast %add3A_281 : i32 to index
          %get3A_285 = tpu.vector_load %arg5[%get3A_282, %get3A_283, %get3A_284] {strides = array<i32>} : memref<8x16x512xf32, #tpu.memory_space<vmem>>, vector<1x1x16xf32>,
          %get3A_286 = vector.shape_cast %get3A_285 : vector<1x1x16xf32> to vector<16xf32>
          %sub3A_287 = arith.constant 16 : i32
          %sub3A_288 = arith.subi %sub3A_180, %sub3A_287 : i32
          %lt3A_289 = vector.broadcast %sub3A_288 : i32 to vector<16xi32>
          %lt3A_290 = arith.cmpi slt, %iota3A, %lt3A_289 : vector<16xi32>
          %select_n3A_291 = arith.select %lt3A_290, %get3A_286, %broadcast_in_dim3A_3 : vector<16xi1>, vector<16xf32>
          %min3A_292 = arith.minimumf %min3A_279, %select_n3A_291 : vector<16xf32>
          %add3A_293 = arith.constant 32 : i32
          %add3A_294 = arith.addi %mul3A_266, %add3A_293 : i32
          %get3A_295 = arith.index_cast %select_n3A_148 : i32 to index
          %get3A_296 = arith.index_cast %scan3A_240 : i32 to index
          %get3A_297 = arith.index_cast %add3A_294 : i32 to index
          %get3A_298 = tpu.vector_load %arg5[%get3A_295, %get3A_296, %get3A_297] {strides = array<i32>} : memref<8x16x512xf32, #tpu.memory_space<vmem>>, vector<1x1x16xf32>,
          %get3A_299 = vector.shape_cast %get3A_298 : vector<1x1x16xf32> to vector<16xf32>
          %sub3A_300 = arith.constant 32 : i32
          %sub3A_301 = arith.subi %sub3A_180, %sub3A_300 : i32
          %lt3A_302 = vector.broadcast %sub3A_301 : i32 to vector<16xi32>
          %lt3A_303 = arith.cmpi slt, %iota3A, %lt3A_302 : vector<16xi32>
          %select_n3A_304 = arith.select %lt3A_303, %get3A_299, %broadcast_in_dim3A_3 : vector<16xi1>, vector<16xf32>
          %min3A_305 = arith.minimumf %min3A_292, %select_n3A_304 : vector<16xf32>
          %add3A_306 = arith.constant 48 : i32
          %add3A_307 = arith.addi %mul3A_266, %add3A_306 : i32
          %get3A_308 = arith.index_cast %select_n3A_148 : i32 to index
          %get3A_309 = arith.index_cast %scan3A_240 : i32 to index
          %get3A_310 = arith.index_cast %add3A_307 : i32 to index
          %get3A_311 = tpu.vector_load %arg5[%get3A_308, %get3A_309, %get3A_310] {strides = array<i32>} : memref<8x16x512xf32, #tpu.memory_space<vmem>>, vector<1x1x16xf32>,
          %get3A_312 = vector.shape_cast %get3A_311 : vector<1x1x16xf32> to vector<16xf32>
          %sub3A_313 = arith.constant 48 : i32
          %sub3A_314 = arith.subi %sub3A_180, %sub3A_313 : i32
          %lt3A_315 = vector.broadcast %sub3A_314 : i32 to vector<16xi32>
          %lt3A_316 = arith.cmpi slt, %iota3A, %lt3A_315 : vector<16xi32>
          %select_n3A_317 = arith.select %lt3A_316, %get3A_312, %broadcast_in_dim3A_3 : vector<16xi1>, vector<16xf32>
          %min3A_318 = arith.minimumf %min3A_305, %select_n3A_317 : vector<16xf32>
          %add3A_319 = arith.constant 64 : i32
          %add3A_320 = arith.addi %mul3A_266, %add3A_319 : i32
          %get3A_321 = arith.index_cast %select_n3A_148 : i32 to index
          %get3A_322 = arith.index_cast %scan3A_240 : i32 to index
          %get3A_323 = arith.index_cast %add3A_320 : i32 to index
          %get3A_324 = tpu.vector_load %arg5[%get3A_321, %get3A_322, %get3A_323] {strides = array<i32>} : memref<8x16x512xf32, #tpu.memory_space<vmem>>, vector<1x1x16xf32>,
          %get3A_325 = vector.shape_cast %get3A_324 : vector<1x1x16xf32> to vector<16xf32>
          %sub3A_326 = arith.constant 64 : i32
          %sub3A_327 = arith.subi %sub3A_180, %sub3A_326 : i32
          %lt3A_328 = vector.broadcast %sub3A_327 : i32 to vector<16xi32>
          %lt3A_329 = arith.cmpi slt, %iota3A, %lt3A_328 : vector<16xi32>
          %select_n3A_330 = arith.select %lt3A_329, %get3A_325, %broadcast_in_dim3A_3 : vector<16xi1>, vector<16xf32>
          %min3A_331 = arith.minimumf %min3A_318, %select_n3A_330 : vector<16xf32>
          %add3A_332 = arith.constant 80 : i32
          %add3A_333 = arith.addi %mul3A_266, %add3A_332 : i32
          %get3A_334 = arith.index_cast %select_n3A_148 : i32 to index
          %get3A_335 = arith.index_cast %scan3A_240 : i32 to index
          %get3A_336 = arith.index_cast %add3A_333 : i32 to index
          %get3A_337 = tpu.vector_load %arg5[%get3A_334, %get3A_335, %get3A_336] {strides = array<i32>} : memref<8x16x512xf32, #tpu.memory_space<vmem>>, vector<1x1x16xf32>,
          %get3A_338 = vector.shape_cast %get3A_337 : vector<1x1x16xf32> to vector<16xf32>
          %sub3A_339 = arith.constant 80 : i32
          %sub3A_340 = arith.subi %sub3A_180, %sub3A_339 : i32
          %lt3A_341 = vector.broadcast %sub3A_340 : i32 to vector<16xi32>
          %lt3A_342 = arith.cmpi slt, %iota3A, %lt3A_341 : vector<16xi32>
          %select_n3A_343 = arith.select %lt3A_342, %get3A_338, %broadcast_in_dim3A_3 : vector<16xi1>, vector<16xf32>
          %min3A_344 = arith.minimumf %min3A_331, %select_n3A_343 : vector<16xf32>
          %add3A_345 = arith.constant 96 : i32
          %add3A_346 = arith.addi %mul3A_266, %add3A_345 : i32
          %get3A_347 = arith.index_cast %select_n3A_148 : i32 to index
          %get3A_348 = arith.index_cast %scan3A_240 : i32 to index
          %get3A_349 = arith.index_cast %add3A_346 : i32 to index
          %get3A_350 = tpu.vector_load %arg5[%get3A_347, %get3A_348, %get3A_349] {strides = array<i32>} : memref<8x16x512xf32, #tpu.memory_space<vmem>>, vector<1x1x16xf32>,
          %get3A_351 = vector.shape_cast %get3A_350 : vector<1x1x16xf32> to vector<16xf32>
          %sub3A_352 = arith.constant 96 : i32
          %sub3A_353 = arith.subi %sub3A_180, %sub3A_352 : i32
          %lt3A_354 = vector.broadcast %sub3A_353 : i32 to vector<16xi32>
          %lt3A_355 = arith.cmpi slt, %iota3A, %lt3A_354 : vector<16xi32>
          %select_n3A_356 = arith.select %lt3A_355, %get3A_351, %broadcast_in_dim3A_3 : vector<16xi1>, vector<16xf32>
          %min3A_357 = arith.minimumf %min3A_344, %select_n3A_356 : vector<16xf32>
          %add3A_358 = arith.constant 112 : i32
          %add3A_359 = arith.addi %mul3A_266, %add3A_358 : i32
          %get3A_360 = arith.index_cast %select_n3A_148 : i32 to index
          %get3A_361 = arith.index_cast %scan3A_240 : i32 to index
          %get3A_362 = arith.index_cast %add3A_359 : i32 to index
          %get3A_363 = tpu.vector_load %arg5[%get3A_360, %get3A_361, %get3A_362] {strides = array<i32>} : memref<8x16x512xf32, #tpu.memory_space<vmem>>, vector<1x1x16xf32>,
          %get3A_364 = vector.shape_cast %get3A_363 : vector<1x1x16xf32> to vector<16xf32>
          %sub3A_365 = arith.constant 112 : i32
          %sub3A_366 = arith.subi %sub3A_180, %sub3A_365 : i32
          %lt3A_367 = vector.broadcast %sub3A_366 : i32 to vector<16xi32>
          %lt3A_368 = arith.cmpi slt, %iota3A, %lt3A_367 : vector<16xi32>
          %select_n3A_369 = arith.select %lt3A_368, %get3A_364, %broadcast_in_dim3A_3 : vector<16xi1>, vector<16xf32>
          %min3A_370 = arith.minimumf %min3A_357, %select_n3A_369 : vector<16xf32>
          %swap3A = arith.index_cast %scan3A_240 : i32 to index
          %swap3A_371 = arith.constant 0 : index
          %swap3A_372 = tpu.vector_load %arg6[%swap3A, %swap3A_371] {strides = array<i32>} : memref<16x16xf32, #tpu.memory_space<vmem>>, vector<1x16xf32>,
          %swap3A_373 = vector.shape_cast %swap3A_372 : vector<1x16xf32> to vector<16xf32>
          %swap3A_374 = vector.shape_cast %min3A_370 : vector<16xf32> to vector<1x16xf32>
          tpu.vector_store %arg6[%swap3A, %swap3A_371], %swap3A_374 {strides = array<i32>} : memref<16x16xf32, #tpu.memory_space<vmem>>, vector<1x16xf32>,
        } else {
        }
        %eq3A_260 = arith.constant 0 : i32
        %eq3A_261 = arith.cmpi eq, %sub3A_180, %eq3A_260 : i32
        %convert_element_type3A_262 = arith.extui %eq3A_261 : i1 to i32
        %cond3A_263 = arith.constant 0 : i32
        %cond3A_264 = arith.cmpi ne, %convert_element_type3A_262, %cond3A_263 : i32
        scf.if %cond3A_264 {
          %swap3A = arith.index_cast %scan3A_240 : i32 to index
          %swap3A_265 = arith.constant 0 : index
          %swap3A_266 = tpu.vector_load %arg6[%swap3A, %swap3A_265] {strides = array<i32>} : memref<16x16xf32, #tpu.memory_space<vmem>>, vector<1x16xf32>,
          %swap3A_267 = vector.shape_cast %swap3A_266 : vector<1x16xf32> to vector<16xf32>
          %swap3A_268 = vector.shape_cast %while3A_255 : vector<16xf32> to vector<1x16xf32>
          tpu.vector_store %arg6[%swap3A, %swap3A_265], %swap3A_268 {strides = array<i32>} : memref<16x16xf32, #tpu.memory_space<vmem>>, vector<1x16xf32>,
        } else {
        }
      }
      %scan3A_191 = arith.constant 16 : i32
      %sub3A_192 = arith.constant 1 : i32
      %sub3A_193 = arith.subi %while3A_53, %sub3A_192 : i32
      %eq3A_194 = arith.cmpi eq, %while3A_52, %sub3A_193 : i32
      %convert_element_type3A_195 = arith.extui %eq3A_194 : i1 to i32
      %cond3A_196 = arith.constant 0 : i32
      %cond3A_197 = arith.cmpi ne, %convert_element_type3A_195, %cond3A_196 : i32
      scf.if %cond3A_197 {
        %scan3A_240 = arith.constant 0 : i32
        %scan3A_241 = arith.constant 16 : i32
        %scan3A_242 = arith.addi %scan3A_240, %scan3A_241 : i32
        %scan3A_243 = arith.constant 1 : i32
        %scan3A_244 = scf.for %scan3A_253 = %scan3A_240 to %scan3A_242 step %scan3A_243 iter_args(%scan3A_254 = %broadcast_in_dim3A_3) -> (vector<16xf32>)  : i32 {
          %get3A_255 = arith.index_cast %scan3A_253 : i32 to index
          %get3A_256 = arith.constant 0 : index
          %get3A_257 = tpu.vector_load %arg6[%get3A_255, %get3A_256] {strides = array<i32>} : memref<16x16xf32, #tpu.memory_space<vmem>>, vector<1x16xf32>,
          %get3A_258 = vector.shape_cast %get3A_257 : vector<1x16xf32> to vector<16xf32>
          %xor3A = arith.constant 8 : i32
          %xor3A_259 = vector.broadcast %xor3A : i32 to vector<16xi32>
          %xor3A_260 = arith.xori %iota3A, %xor3A_259 : vector<16xi32>
          %lt3A_261 = arith.constant 0 : i32
          %lt3A_262 = vector.broadcast %lt3A_261 : i32 to vector<16xi32>
          %lt3A_263 = arith.cmpi slt, %xor3A_260, %lt3A_262 : vector<16xi32>
          %add3A_264 = arith.constant 16 : i32
          %add3A_265 = vector.broadcast %add3A_264 : i32 to vector<16xi32>
          %add3A_266 = arith.addi %xor3A_260, %add3A_265 : vector<16xi32>
          %select_n3A_267 = arith.select %lt3A_263, %add3A_266, %xor3A_260 : vector<16xi1>, vector<16xi32>
          %broadcast_in_dim3A_268 = vector.shape_cast %select_n3A_267 : vector<16xi32> to vector<16x1xi32>
          %gather3A = vector.shape_cast %broadcast_in_dim3A_268 : vector<16x1xi32> to vector<16xi32>
          %gather3A_269 = tpu.dynamic_gather %get3A_258[%gather3A] in [0] : vector<16xf32>, vector<16xi32> -> vector<16xf32>
          %min3A_270 = arith.minimumf %get3A_258, %gather3A_269 : vector<16xf32>
          %xor3A_271 = arith.constant 4 : i32
          %xor3A_272 = vector.broadcast %xor3A_271 : i32 to vector<16xi32>
          %xor3A_273 = arith.xori %iota3A, %xor3A_272 : vector<16xi32>
          %lt3A_274 = arith.constant 0 : i32
          %lt3A_275 = vector.broadcast %lt3A_274 : i32 to vector<16xi32>
          %lt3A_276 = arith.cmpi slt, %xor3A_273, %lt3A_275 : vector<16xi32>
          %add3A_277 = arith.constant 16 : i32
          %add3A_278 = vector.broadcast %add3A_277 : i32 to vector<16xi32>
          %add3A_279 = arith.addi %xor3A_273, %add3A_278 : vector<16xi32>
          %select_n3A_280 = arith.select %lt3A_276, %add3A_279, %xor3A_273 : vector<16xi1>, vector<16xi32>
          %broadcast_in_dim3A_281 = vector.shape_cast %select_n3A_280 : vector<16xi32> to vector<16x1xi32>
          %gather3A_282 = vector.shape_cast %broadcast_in_dim3A_281 : vector<16x1xi32> to vector<16xi32>
          %gather3A_283 = tpu.dynamic_gather %min3A_270[%gather3A_282] in [0] : vector<16xf32>, vector<16xi32> -> vector<16xf32>
          %min3A_284 = arith.minimumf %min3A_270, %gather3A_283 : vector<16xf32>
          %xor3A_285 = arith.constant 2 : i32
          %xor3A_286 = vector.broadcast %xor3A_285 : i32 to vector<16xi32>
          %xor3A_287 = arith.xori %iota3A, %xor3A_286 : vector<16xi32>
          %lt3A_288 = arith.constant 0 : i32
          %lt3A_289 = vector.broadcast %lt3A_288 : i32 to vector<16xi32>
          %lt3A_290 = arith.cmpi slt, %xor3A_287, %lt3A_289 : vector<16xi32>
          %add3A_291 = arith.constant 16 : i32
          %add3A_292 = vector.broadcast %add3A_291 : i32 to vector<16xi32>
          %add3A_293 = arith.addi %xor3A_287, %add3A_292 : vector<16xi32>
          %select_n3A_294 = arith.select %lt3A_290, %add3A_293, %xor3A_287 : vector<16xi1>, vector<16xi32>
          %broadcast_in_dim3A_295 = vector.shape_cast %select_n3A_294 : vector<16xi32> to vector<16x1xi32>
          %gather3A_296 = vector.shape_cast %broadcast_in_dim3A_295 : vector<16x1xi32> to vector<16xi32>
          %gather3A_297 = tpu.dynamic_gather %min3A_284[%gather3A_296] in [0] : vector<16xf32>, vector<16xi32> -> vector<16xf32>
          %min3A_298 = arith.minimumf %min3A_284, %gather3A_297 : vector<16xf32>
          %xor3A_299 = arith.constant 1 : i32
          %xor3A_300 = vector.broadcast %xor3A_299 : i32 to vector<16xi32>
          %xor3A_301 = arith.xori %iota3A, %xor3A_300 : vector<16xi32>
          %lt3A_302 = arith.constant 0 : i32
          %lt3A_303 = vector.broadcast %lt3A_302 : i32 to vector<16xi32>
          %lt3A_304 = arith.cmpi slt, %xor3A_301, %lt3A_303 : vector<16xi32>
          %add3A_305 = arith.constant 16 : i32
          %add3A_306 = vector.broadcast %add3A_305 : i32 to vector<16xi32>
          %add3A_307 = arith.addi %xor3A_301, %add3A_306 : vector<16xi32>
          %select_n3A_308 = arith.select %lt3A_304, %add3A_307, %xor3A_301 : vector<16xi1>, vector<16xi32>
          %broadcast_in_dim3A_309 = vector.shape_cast %select_n3A_308 : vector<16xi32> to vector<16x1xi32>
          %gather3A_310 = vector.shape_cast %broadcast_in_dim3A_309 : vector<16x1xi32> to vector<16xi32>
          %gather3A_311 = tpu.dynamic_gather %min3A_298[%gather3A_310] in [0] : vector<16xf32>, vector<16xi32> -> vector<16xf32>
          %min3A_312 = arith.minimumf %min3A_298, %gather3A_311 : vector<16xf32>
          %eq3A_313 = vector.broadcast %scan3A_253 : i32 to vector<16xi32>
          %eq3A_314 = arith.cmpi eq, %iota3A, %eq3A_313 : vector<16xi32>
          %select_n3A_315 = arith.select %eq3A_314, %min3A_312, %scan3A_254 : vector<16xi1>, vector<16xf32>
          scf.yield %select_n3A_315 : vector<16xf32>
        }
        %scan3A_245 = arith.constant 16 : i32
        %sub3A_246 = arith.constant 10 : i32
        %sub3A_247 = arith.subi %while3A_51, %sub3A_246 : i32
        %mul3A_248 = arith.constant 16 : i32
        %mul3A_249 = arith.muli %sub3A_247, %mul3A_248 : i32
        %swap3A = arith.index_cast %mul3A_249 : i32 to index
        %swap3A_250 = tpu.vector_load %arg7[%swap3A] {strides = array<i32>} : memref<96xf32, #tpu.memory_space<vmem>>, vector<16xf32>,
        %swap3A_251 = vector.shape_cast %swap3A_250 : vector<16xf32> to vector<16xf32>
        %swap3A_252 = vector.shape_cast %scan3A_244 : vector<16xf32> to vector<16xf32>
        tpu.vector_store %arg7[%swap3A], %swap3A_252 {strides = array<i32>} : memref<96xf32, #tpu.memory_space<vmem>>, vector<16xf32>,
      } else {
      }
      %add3A_198 = arith.constant 1 : i32
      %add3A_199 = arith.addi %while3A_52, %add3A_198 : i32
      %eq3A_200 = arith.cmpi eq, %add3A_199, %while3A_53 : i32
      %convert_element_type3A_201 = arith.extui %eq3A_200 : i1 to i32
      %add3A_202 = arith.addi %while3A_51, %convert_element_type3A_201 : i32
      %min3A_203 = arith.constant 15 : i32
      %min3A_204 = arith.minsi %add3A_202, %min3A_203 : i32
      %jit3A_205 = arith.constant 0 : i32
      %select_n3A_206 = arith.select %eq3A_200, %jit3A_205, %add3A_199 : i32
      %get3A_207 = arith.index_cast %min3A_204 : i32 to index
      %get3A_208 = tpu.vector_load %arg8[%get3A_207] {strides = array<i32>} : memref<64xi32, #tpu.memory_space<vmem>>, vector<16xi32>,
      %get3A_209 = vector.shape_cast %get3A_208 : vector<16xi32> to vector<16xi32>
      %slice3A_210 = vector.extract_strided_slice %get3A_209 {offsets = [0], sizes = [1], strides = [1]} : vector<16xi32> to vector<1xi32>
      %squeeze3A_211 = vector.extract %slice3A_210[0] : i32 from vector<1xi32>
      %add3A_212 = arith.constant 511 : i32
      %add3A_213 = arith.addi %squeeze3A_211, %add3A_212 : i32
      %jit3A_214 = arith.constant 512 : i32
      %div3A_215 = arith.divsi %add3A_213, %jit3A_214 : i32
      %sign3A_216 = arith.constant 0 : i32
      %sign3A_217 = arith.cmpi sgt, %add3A_213, %sign3A_216 : i32
      %sign3A_218 = arith.extui %sign3A_217 : i1 to i32
      %sign3A_219 = arith.constant 0 : i32
      %sign3A_220 = arith.cmpi slt, %add3A_213, %sign3A_219 : i32
      %sign3A_221 = arith.extui %sign3A_220 : i1 to i32
      %sign3A_222 = arith.subi %sign3A_218, %sign3A_221 : i32
      %sign3A_223 = arith.constant 0 : i32
      %sign3A_224 = arith.cmpi sgt, %jit3A_214, %sign3A_223 : i32
      %sign3A_225 = arith.extui %sign3A_224 : i1 to i32
      %sign3A_226 = arith.constant 0 : i32
      %sign3A_227 = arith.cmpi slt, %jit3A_214, %sign3A_226 : i32
      %sign3A_228 = arith.extui %sign3A_227 : i1 to i32
      %sign3A_229 = arith.subi %sign3A_225, %sign3A_228 : i32
      %ne3A_230 = arith.cmpi ne, %sign3A_222, %sign3A_229 : i32
      %rem3A_231 = arith.remsi %add3A_213, %jit3A_214 : i32
      %ne3A_232 = arith.constant 0 : i32
      %ne3A_233 = arith.cmpi ne, %rem3A_231, %ne3A_232 : i32
      %and3A_234 = arith.andi %ne3A_230, %ne3A_233 : i1
      %sub3A_235 = arith.constant 1 : i32
      %sub3A_236 = arith.subi %div3A_215, %sub3A_235 : i32
      %select_n3A_237 = arith.select %and3A_234, %sub3A_236, %div3A_215 : i32
      %select_n3A_238 = arith.select %eq3A_200, %select_n3A_237, %while3A_53 : i32
      %select_n3A_239 = arith.select %eq3A_200, %squeeze3A_211, %while3A_54 : i32
      scf.yield %min3A_204, %select_n3A_206, %select_n3A_238, %select_n3A_239, %min3A_66, %select_n3A_68, %select_n3A_100, %select_n3A_101 : i32, i32, i32, i32, i32, i32, i32, i32
    }
    %while3A_48 = arith.constant 1 : i32
    %while3A_49:8 = scf.for %while3A_50 = %while3A_45 to %while3A_41 step %while3A_48 iter_args(%while3A_51 = %while3A_47#0, %while3A_52 = %while3A_47#1, %while3A_53 = %while3A_47#2, %while3A_54 = %while3A_47#3, %while3A_55 = %while3A_47#4, %while3A_56 = %while3A_47#5, %while3A_57 = %while3A_47#6, %while3A_58 = %while3A_47#7) -> (i32, i32, i32, i32, i32, i32, i32, i32)  : i32 {
      %add3A_59 = arith.constant 7 : i32
      %add3A_60 = arith.addi %while3A_50, %add3A_59 : i32
      %lt3A = arith.cmpi slt, %add3A_60, %scan3A_8 : i32
      %convert_element_type3A = arith.extui %lt3A : i1 to i32
      %cond3A = arith.constant 0 : i32
      %cond3A_61 = arith.cmpi ne, %convert_element_type3A, %cond3A : i32
      scf.if %cond3A_61 {
        %add3A_240 = arith.constant 7 : i32
        %add3A_241 = arith.addi %while3A_50, %add3A_240 : i32
        %jit3A_242 = arith.constant 8 : i32
        %eq3A_243 = arith.constant 0 : i32
        %eq3A_244 = arith.cmpi eq, %jit3A_242, %eq3A_243 : i32
        %jit3A_245 = arith.constant 1 : i32
        %select_n3A_246 = arith.select %eq3A_244, %jit3A_245, %jit3A_242 : i32
        %rem3A_247 = arith.remsi %add3A_241, %select_n3A_246 : i32
        %ne3A_248 = arith.constant 0 : i32
        %ne3A_249 = arith.cmpi ne, %rem3A_247, %ne3A_248 : i32
        %lt3A_250 = arith.constant 0 : i32
        %lt3A_251 = arith.cmpi slt, %rem3A_247, %lt3A_250 : i32
        %lt3A_252 = arith.constant 0 : i32
        %lt3A_253 = arith.cmpi slt, %select_n3A_246, %lt3A_252 : i32
        %ne3A_254 = arith.xori %lt3A_251, %lt3A_253 : i1
        %and3A_255 = arith.andi %ne3A_254, %ne3A_249 : i1
        %add3A_256 = arith.addi %rem3A_247, %select_n3A_246 : i32
        %select_n3A_257 = arith.select %and3A_255, %add3A_256, %rem3A_247 : i32
        %mul3A_258 = arith.constant 512 : i32
        %mul3A_259 = arith.muli %while3A_56, %mul3A_258 : i32
        %dma_start3A = arith.constant 0 : i32
        %dma_start3A_260 = arith.constant 0 : i32
        %dma_start3A_261 = tpu.memref_slice %arg5[%select_n3A_257, %dma_start3A, %dma_start3A_260] : memref<8x16x512xf32, #tpu.memory_space<vmem>> -> memref<1x16x512xf32, #tpu.memory_space<vmem>>
        %dma_start3A_262 = tpu.memref_squeeze %dma_start3A_261 : memref<1x16x512xf32, #tpu.memory_space<vmem>> -> memref<16x512xf32, #tpu.memory_space<vmem>>
        %dma_start3A_263 = tpu.memref_slice %arg2[%while3A_55, %mul3A_2, %mul3A_259] : memref<16x512x4096xf32, #tpu.memory_space<hbm>> -> memref<1x16x512xf32, #tpu.memory_space<hbm>>
        %dma_start3A_264 = tpu.memref_squeeze %dma_start3A_263 : memref<1x16x512xf32, #tpu.memory_space<hbm>> -> memref<16x512xf32, #tpu.memory_space<hbm>>
        %dma_start3A_265 = tpu.memref_slice %arg9[%select_n3A_257] : memref<8x!tpu.dma_semaphore, #tpu.memory_space<semaphore_mem>> -> memref<1x!tpu.dma_semaphore, #tpu.memory_space<semaphore_mem>>
        %dma_start3A_266 = tpu.memref_squeeze %dma_start3A_265 : memref<1x!tpu.dma_semaphore, #tpu.memory_space<semaphore_mem>> -> memref<!tpu.dma_semaphore, #tpu.memory_space<semaphore_mem>>
        %dma_start3A_267 = arith.constant 0 : i32
        %dma_start3A_268 = arith.constant 0 : i32
        %dma_start3A_269 = tpu.memref_slice %arg5[%select_n3A_257, %dma_start3A_267, %dma_start3A_268] : memref<8x16x512xf32, #tpu.memory_space<vmem>> -> memref<1x16x512xf32, #tpu.memory_space<vmem>>
        %dma_start3A_270 = tpu.memref_squeeze %dma_start3A_269 : memref<1x16x512xf32, #tpu.memory_space<vmem>> -> memref<16x512xf32, #tpu.memory_space<vmem>>
        %dma_start3A_271 = tpu.memref_slice %arg2[%while3A_55, %mul3A_2, %mul3A_259] : memref<16x512x4096xf32, #tpu.memory_space<hbm>> -> memref<1x16x512xf32, #tpu.memory_space<hbm>>
        %dma_start3A_272 = tpu.memref_squeeze %dma_start3A_271 : memref<1x16x512xf32, #tpu.memory_space<hbm>> -> memref<16x512xf32, #tpu.memory_space<hbm>>
        tpu.enqueue_dma source(%dma_start3A_272 : memref<16x512xf32, #tpu.memory_space<hbm>>) target(%dma_start3A_270 : memref<16x512xf32, #tpu.memory_space<vmem>>) target_semaphore(%dma_start3A_266 : memref<!tpu.dma_semaphore, #tpu.memory_space<semaphore_mem>>)
      } else {
      }
      %add3A_62 = arith.constant 1 : i32
      %add3A_63 = arith.addi %while3A_56, %add3A_62 : i32
      %eq3A = arith.cmpi eq, %add3A_63, %while3A_57 : i32
      %convert_element_type3A_64 = arith.extui %eq3A : i1 to i32
      %add3A_65 = arith.addi %while3A_55, %convert_element_type3A_64 : i32
      %min3A = arith.constant 15 : i32
      %min3A_66 = arith.minsi %add3A_65, %min3A : i32
      %jit3A_67 = arith.constant 0 : i32
      %select_n3A_68 = arith.select %eq3A, %jit3A_67, %add3A_63 : i32
      %get3A_69 = arith.index_cast %min3A_66 : i32 to index
      %get3A_70 = tpu.vector_load %arg8[%get3A_69] {strides = array<i32>} : memref<64xi32, #tpu.memory_space<vmem>>, vector<16xi32>,
      %get3A_71 = vector.shape_cast %get3A_70 : vector<16xi32> to vector<16xi32>
      %slice3A_72 = vector.extract_strided_slice %get3A_71 {offsets = [0], sizes = [1], strides = [1]} : vector<16xi32> to vector<1xi32>
      %squeeze3A_73 = vector.extract %slice3A_72[0] : i32 from vector<1xi32>
      %add3A_74 = arith.constant 511 : i32
      %add3A_75 = arith.addi %squeeze3A_73, %add3A_74 : i32
      %jit3A_76 = arith.constant 512 : i32
      %div3A_77 = arith.divsi %add3A_75, %jit3A_76 : i32
      %sign3A_78 = arith.constant 0 : i32
      %sign3A_79 = arith.cmpi sgt, %add3A_75, %sign3A_78 : i32
      %sign3A_80 = arith.extui %sign3A_79 : i1 to i32
      %sign3A_81 = arith.constant 0 : i32
      %sign3A_82 = arith.cmpi slt, %add3A_75, %sign3A_81 : i32
      %sign3A_83 = arith.extui %sign3A_82 : i1 to i32
      %sign3A_84 = arith.subi %sign3A_80, %sign3A_83 : i32
      %sign3A_85 = arith.constant 0 : i32
      %sign3A_86 = arith.cmpi sgt, %jit3A_76, %sign3A_85 : i32
      %sign3A_87 = arith.extui %sign3A_86 : i1 to i32
      %sign3A_88 = arith.constant 0 : i32
      %sign3A_89 = arith.cmpi slt, %jit3A_76, %sign3A_88 : i32
      %sign3A_90 = arith.extui %sign3A_89 : i1 to i32
      %sign3A_91 = arith.subi %sign3A_87, %sign3A_90 : i32
      %ne3A_92 = arith.cmpi ne, %sign3A_84, %sign3A_91 : i32
      %rem3A_93 = arith.remsi %add3A_75, %jit3A_76 : i32
      %ne3A_94 = arith.constant 0 : i32
      %ne3A_95 = arith.cmpi ne, %rem3A_93, %ne3A_94 : i32
      %and3A_96 = arith.andi %ne3A_92, %ne3A_95 : i1
      %sub3A_97 = arith.constant 1 : i32
      %sub3A_98 = arith.subi %div3A_77, %sub3A_97 : i32
      %select_n3A_99 = arith.select %and3A_96, %sub3A_98, %div3A_77 : i32
      %select_n3A_100 = arith.select %eq3A, %select_n3A_99, %while3A_57 : i32
      %select_n3A_101 = arith.select %eq3A, %squeeze3A_73, %while3A_58 : i32
      %jit3A_102 = arith.constant 8 : i32
      %eq3A_103 = arith.constant 0 : i32
      %eq3A_104 = arith.cmpi eq, %jit3A_102, %eq3A_103 : i32
      %jit3A_105 = arith.constant 1 : i32
      %select_n3A_106 = arith.select %eq3A_104, %jit3A_105, %jit3A_102 : i32
      %rem3A_107 = arith.remsi %while3A_50, %select_n3A_106 : i32
      %ne3A_108 = arith.constant 0 : i32
      %ne3A_109 = arith.cmpi ne, %rem3A_107, %ne3A_108 : i32
      %lt3A_110 = arith.constant 0 : i32
      %lt3A_111 = arith.cmpi slt, %rem3A_107, %lt3A_110 : i32
      %lt3A_112 = arith.constant 0 : i32
      %lt3A_113 = arith.cmpi slt, %select_n3A_106, %lt3A_112 : i32
      %ne3A_114 = arith.xori %lt3A_111, %lt3A_113 : i1
      %and3A_115 = arith.andi %ne3A_114, %ne3A_109 : i1
      %add3A_116 = arith.addi %rem3A_107, %select_n3A_106 : i32
      %select_n3A_117 = arith.select %and3A_115, %add3A_116, %rem3A_107 : i32
      %mul3A_118 = arith.constant 512 : i32
      %mul3A_119 = arith.muli %while3A_52, %mul3A_118 : i32
      %dma_wait3A = arith.constant 0 : i32
      %dma_wait3A_120 = arith.constant 0 : i32
      %dma_wait3A_121 = tpu.memref_slice %arg5[%select_n3A_117, %dma_wait3A, %dma_wait3A_120] : memref<8x16x512xf32, #tpu.memory_space<vmem>> -> memref<1x16x512xf32, #tpu.memory_space<vmem>>
      %dma_wait3A_122 = tpu.memref_squeeze %dma_wait3A_121 : memref<1x16x512xf32, #tpu.memory_space<vmem>> -> memref<16x512xf32, #tpu.memory_space<vmem>>
      %dma_wait3A_123 = tpu.memref_slice %arg2[%while3A_51, %mul3A_2, %mul3A_119] : memref<16x512x4096xf32, #tpu.memory_space<hbm>> -> memref<1x16x512xf32, #tpu.memory_space<hbm>>
      %dma_wait3A_124 = tpu.memref_squeeze %dma_wait3A_123 : memref<1x16x512xf32, #tpu.memory_space<hbm>> -> memref<16x512xf32, #tpu.memory_space<hbm>>
      %dma_wait3A_125 = tpu.memref_slice %arg9[%select_n3A_117] : memref<8x!tpu.dma_semaphore, #tpu.memory_space<semaphore_mem>> -> memref<1x!tpu.dma_semaphore, #tpu.memory_space<semaphore_mem>>
      %dma_wait3A_126 = tpu.memref_squeeze %dma_wait3A_125 : memref<1x!tpu.dma_semaphore, #tpu.memory_space<semaphore_mem>> -> memref<!tpu.dma_semaphore, #tpu.memory_space<semaphore_mem>>
      %dma_wait3A_127 = arith.constant 0 : i32
      %dma_wait3A_128 = arith.constant 0 : i32
      %dma_wait3A_129 = tpu.memref_slice %arg5[%select_n3A_117, %dma_wait3A_127, %dma_wait3A_128] : memref<8x16x512xf32, #tpu.memory_space<vmem>> -> memref<1x16x512xf32, #tpu.memory_space<vmem>>
      %dma_wait3A_130 = tpu.memref_squeeze %dma_wait3A_129 : memref<1x16x512xf32, #tpu.memory_space<vmem>> -> memref<16x512xf32, #tpu.memory_space<vmem>>
      %dma_wait3A_131 = tpu.memref_slice %arg2[%while3A_51, %mul3A_2, %mul3A_119] : memref<16x512x4096xf32, #tpu.memory_space<hbm>> -> memref<1x16x512xf32, #tpu.memory_space<hbm>>
      %dma_wait3A_132 = tpu.memref_squeeze %dma_wait3A_131 : memref<1x16x512xf32, #tpu.memory_space<hbm>> -> memref<16x512xf32, #tpu.memory_space<hbm>>
      tpu.wait_dma2 semaphore(%dma_wait3A_126 : memref<!tpu.dma_semaphore, #tpu.memory_space<semaphore_mem>>) src(%dma_wait3A_132 : memref<16x512xf32, #tpu.memory_space<hbm>>) dst(%dma_wait3A_130 : memref<16x512xf32, #tpu.memory_space<vmem>>)
      %jit3A_133 = arith.constant 8 : i32
      %eq3A_134 = arith.constant 0 : i32
      %eq3A_135 = arith.cmpi eq, %jit3A_133, %eq3A_134 : i32
      %jit3A_136 = arith.constant 1 : i32
      %select_n3A_137 = arith.select %eq3A_135, %jit3A_136, %jit3A_133 : i32
      %rem3A_138 = arith.remsi %while3A_50, %select_n3A_137 : i32
      %ne3A_139 = arith.constant 0 : i32
      %ne3A_140 = arith.cmpi ne, %rem3A_138, %ne3A_139 : i32
      %lt3A_141 = arith.constant 0 : i32
      %lt3A_142 = arith.cmpi slt, %rem3A_138, %lt3A_141 : i32
      %lt3A_143 = arith.constant 0 : i32
      %lt3A_144 = arith.cmpi slt, %select_n3A_137, %lt3A_143 : i32
      %ne3A_145 = arith.xori %lt3A_142, %lt3A_144 : i1
      %and3A_146 = arith.andi %ne3A_145, %ne3A_140 : i1
      %add3A_147 = arith.addi %rem3A_138, %select_n3A_137 : i32
      %select_n3A_148 = arith.select %and3A_146, %add3A_147, %rem3A_138 : i32
      %mul3A_149 = arith.constant 512 : i32
      %mul3A_150 = arith.muli %while3A_52, %mul3A_149 : i32
      %sub3A_151 = arith.subi %while3A_54, %mul3A_150 : i32
      %min3A_152 = arith.constant 512 : i32
      %min3A_153 = arith.minsi %min3A_152, %sub3A_151 : i32
      %jit3A_154 = arith.constant 128 : i32
      %div3A_155 = arith.divsi %min3A_153, %jit3A_154 : i32
      %sign3A_156 = arith.constant 0 : i32
      %sign3A_157 = arith.cmpi sgt, %min3A_153, %sign3A_156 : i32
      %sign3A_158 = arith.extui %sign3A_157 : i1 to i32
      %sign3A_159 = arith.constant 0 : i32
      %sign3A_160 = arith.cmpi slt, %min3A_153, %sign3A_159 : i32
      %sign3A_161 = arith.extui %sign3A_160 : i1 to i32
      %sign3A_162 = arith.subi %sign3A_158, %sign3A_161 : i32
      %sign3A_163 = arith.constant 0 : i32
      %sign3A_164 = arith.cmpi sgt, %jit3A_154, %sign3A_163 : i32
      %sign3A_165 = arith.extui %sign3A_164 : i1 to i32
      %sign3A_166 = arith.constant 0 : i32
      %sign3A_167 = arith.cmpi slt, %jit3A_154, %sign3A_166 : i32
      %sign3A_168 = arith.extui %sign3A_167 : i1 to i32
      %sign3A_169 = arith.subi %sign3A_165, %sign3A_168 : i32
      %ne3A_170 = arith.cmpi ne, %sign3A_162, %sign3A_169 : i32
      %rem3A_171 = arith.remsi %min3A_153, %jit3A_154 : i32
      %ne3A_172 = arith.constant 0 : i32
      %ne3A_173 = arith.cmpi ne, %rem3A_171, %ne3A_172 : i32
      %and3A_174 = arith.andi %ne3A_170, %ne3A_173 : i1
      %sub3A_175 = arith.constant 1 : i32
      %sub3A_176 = arith.subi %div3A_155, %sub3A_175 : i32
      %select_n3A_177 = arith.select %and3A_174, %sub3A_176, %div3A_155 : i32
      %mul3A_178 = arith.constant 128 : i32
      %mul3A_179 = arith.muli %select_n3A_177, %mul3A_178 : i32
      %sub3A_180 = arith.subi %min3A_153, %mul3A_179 : i32
      %eq3A_181 = arith.constant 0 : i32
      %eq3A_182 = arith.cmpi eq, %while3A_52, %eq3A_181 : i32
      %convert_element_type3A_183 = arith.extui %eq3A_182 : i1 to i32
      %cond3A_184 = arith.constant 0 : i32
      %cond3A_185 = arith.cmpi ne, %convert_element_type3A_183, %cond3A_184 : i32
      scf.if %cond3A_185 {
        %scan3A_240 = arith.constant 0 : i32
        %scan3A_241 = arith.constant 0 : i32
        %scan3A_242 = arith.constant 16 : i32
        %scan3A_243 = arith.addi %scan3A_241, %scan3A_242 : i32
        %scan3A_244 = arith.constant 1 : i32
        scf.for %scan3A_246 = %scan3A_241 to %scan3A_243 step %scan3A_244  : i32 {
          %swap3A = arith.index_cast %scan3A_246 : i32 to index
          %swap3A_247 = arith.constant 0 : index
          %swap3A_248 = tpu.vector_load %arg6[%swap3A, %swap3A_247] {strides = array<i32>} : memref<16x16xf32, #tpu.memory_space<vmem>>, vector<1x16xf32>,
          %swap3A_249 = vector.shape_cast %swap3A_248 : vector<1x16xf32> to vector<16xf32>
          %swap3A_250 = vector.shape_cast %broadcast_in_dim3A_3 : vector<16xf32> to vector<1x16xf32>
          tpu.vector_store %arg6[%swap3A, %swap3A_247], %swap3A_250 {strides = array<i32>} : memref<16x16xf32, #tpu.memory_space<vmem>>, vector<1x16xf32>,
        }
        %scan3A_245 = arith.constant 16 : i32
      } else {
      }
      %scan3A_186 = arith.constant 0 : i32
      %scan3A_187 = arith.constant 0 : i32
      %scan3A_188 = arith.constant 16 : i32
      %scan3A_189 = arith.addi %scan3A_187, %scan3A_188 : i32
      %scan3A_190 = arith.constant 1 : i32
      scf.for %scan3A_240 = %scan3A_187 to %scan3A_189 step %scan3A_190  : i32 {
        %get3A_241 = arith.index_cast %scan3A_240 : i32 to index
        %get3A_242 = arith.constant 0 : index
        %get3A_243 = tpu.vector_load %arg6[%get3A_241, %get3A_242] {strides = array<i32>} : memref<16x16xf32, #tpu.memory_space<vmem>>, vector<1x16xf32>,
        %get3A_244 = vector.shape_cast %get3A_243 : vector<1x16xf32> to vector<16xf32>
        %while3A_245 = arith.constant 0 : i32
        %while3A_246 = arith.subi %select_n3A_177, %while3A_245 : i32
        %while3A_247 = arith.addi %while3A_245, %while3A_246 : i32
        %while3A_248 = arith.constant 1 : i32
        %while3A_249 = arith.divsi %while3A_246, %while3A_248 : i32
        %while3A_250 = arith.muli %while3A_249, %while3A_248 : i32
        %while3A_251 = arith.addi %while3A_245, %while3A_250 : i32
        %while3A_252 = arith.constant 1 : i32
        %while3A_253 = scf.for %while3A_265 = %while3A_245 to %while3A_251 step %while3A_252 iter_args(%while3A_266 = %get3A_244) -> (vector<16xf32>)  : i32 {
          %mul3A_267 = arith.constant 128 : i32
          %mul3A_268 = arith.muli %while3A_265, %mul3A_267 : i32
          %add3A_269 = arith.constant 0 : i32
          %add3A_270 = arith.addi %mul3A_268, %add3A_269 : i32
          %get3A_271 = arith.index_cast %select_n3A_148 : i32 to index
          %get3A_272 = arith.index_cast %scan3A_240 : i32 to index
          %get3A_273 = arith.index_cast %add3A_270 : i32 to index
          %get3A_274 = tpu.vector_load %arg5[%get3A_271, %get3A_272, %get3A_273] {strides = array<i32>} : memref<8x16x512xf32, #tpu.memory_space<vmem>>, vector<1x1x16xf32>,
          %get3A_275 = vector.shape_cast %get3A_274 : vector<1x1x16xf32> to vector<16xf32>
          %min3A_276 = arith.minimumf %while3A_266, %get3A_275 : vector<16xf32>
          %add3A_277 = arith.constant 16 : i32
          %add3A_278 = arith.addi %mul3A_268, %add3A_277 : i32
          %get3A_279 = arith.index_cast %select_n3A_148 : i32 to index
          %get3A_280 = arith.index_cast %scan3A_240 : i32 to index
          %get3A_281 = arith.index_cast %add3A_278 : i32 to index
          %get3A_282 = tpu.vector_load %arg5[%get3A_279, %get3A_280, %get3A_281] {strides = array<i32>} : memref<8x16x512xf32, #tpu.memory_space<vmem>>, vector<1x1x16xf32>,
          %get3A_283 = vector.shape_cast %get3A_282 : vector<1x1x16xf32> to vector<16xf32>
          %min3A_284 = arith.minimumf %min3A_276, %get3A_283 : vector<16xf32>
          %add3A_285 = arith.constant 32 : i32
          %add3A_286 = arith.addi %mul3A_268, %add3A_285 : i32
          %get3A_287 = arith.index_cast %select_n3A_148 : i32 to index
          %get3A_288 = arith.index_cast %scan3A_240 : i32 to index
          %get3A_289 = arith.index_cast %add3A_286 : i32 to index
          %get3A_290 = tpu.vector_load %arg5[%get3A_287, %get3A_288, %get3A_289] {strides = array<i32>} : memref<8x16x512xf32, #tpu.memory_space<vmem>>, vector<1x1x16xf32>,
          %get3A_291 = vector.shape_cast %get3A_290 : vector<1x1x16xf32> to vector<16xf32>
          %min3A_292 = arith.minimumf %min3A_284, %get3A_291 : vector<16xf32>
          %add3A_293 = arith.constant 48 : i32
          %add3A_294 = arith.addi %mul3A_268, %add3A_293 : i32
          %get3A_295 = arith.index_cast %select_n3A_148 : i32 to index
          %get3A_296 = arith.index_cast %scan3A_240 : i32 to index
          %get3A_297 = arith.index_cast %add3A_294 : i32 to index
          %get3A_298 = tpu.vector_load %arg5[%get3A_295, %get3A_296, %get3A_297] {strides = array<i32>} : memref<8x16x512xf32, #tpu.memory_space<vmem>>, vector<1x1x16xf32>,
          %get3A_299 = vector.shape_cast %get3A_298 : vector<1x1x16xf32> to vector<16xf32>
          %min3A_300 = arith.minimumf %min3A_292, %get3A_299 : vector<16xf32>
          %add3A_301 = arith.constant 64 : i32
          %add3A_302 = arith.addi %mul3A_268, %add3A_301 : i32
          %get3A_303 = arith.index_cast %select_n3A_148 : i32 to index
          %get3A_304 = arith.index_cast %scan3A_240 : i32 to index
          %get3A_305 = arith.index_cast %add3A_302 : i32 to index
          %get3A_306 = tpu.vector_load %arg5[%get3A_303, %get3A_304, %get3A_305] {strides = array<i32>} : memref<8x16x512xf32, #tpu.memory_space<vmem>>, vector<1x1x16xf32>,
          %get3A_307 = vector.shape_cast %get3A_306 : vector<1x1x16xf32> to vector<16xf32>
          %min3A_308 = arith.minimumf %min3A_300, %get3A_307 : vector<16xf32>
          %add3A_309 = arith.constant 80 : i32
          %add3A_310 = arith.addi %mul3A_268, %add3A_309 : i32
          %get3A_311 = arith.index_cast %select_n3A_148 : i32 to index
          %get3A_312 = arith.index_cast %scan3A_240 : i32 to index
          %get3A_313 = arith.index_cast %add3A_310 : i32 to index
          %get3A_314 = tpu.vector_load %arg5[%get3A_311, %get3A_312, %get3A_313] {strides = array<i32>} : memref<8x16x512xf32, #tpu.memory_space<vmem>>, vector<1x1x16xf32>,
          %get3A_315 = vector.shape_cast %get3A_314 : vector<1x1x16xf32> to vector<16xf32>
          %min3A_316 = arith.minimumf %min3A_308, %get3A_315 : vector<16xf32>
          %add3A_317 = arith.constant 96 : i32
          %add3A_318 = arith.addi %mul3A_268, %add3A_317 : i32
          %get3A_319 = arith.index_cast %select_n3A_148 : i32 to index
          %get3A_320 = arith.index_cast %scan3A_240 : i32 to index
          %get3A_321 = arith.index_cast %add3A_318 : i32 to index
          %get3A_322 = tpu.vector_load %arg5[%get3A_319, %get3A_320, %get3A_321] {strides = array<i32>} : memref<8x16x512xf32, #tpu.memory_space<vmem>>, vector<1x1x16xf32>,
          %get3A_323 = vector.shape_cast %get3A_322 : vector<1x1x16xf32> to vector<16xf32>
          %min3A_324 = arith.minimumf %min3A_316, %get3A_323 : vector<16xf32>
          %add3A_325 = arith.constant 112 : i32
          %add3A_326 = arith.addi %mul3A_268, %add3A_325 : i32
          %get3A_327 = arith.index_cast %select_n3A_148 : i32 to index
          %get3A_328 = arith.index_cast %scan3A_240 : i32 to index
          %get3A_329 = arith.index_cast %add3A_326 : i32 to index
          %get3A_330 = tpu.vector_load %arg5[%get3A_327, %get3A_328, %get3A_329] {strides = array<i32>} : memref<8x16x512xf32, #tpu.memory_space<vmem>>, vector<1x1x16xf32>,
          %get3A_331 = vector.shape_cast %get3A_330 : vector<1x1x16xf32> to vector<16xf32>
          %min3A_332 = arith.minimumf %min3A_324, %get3A_331 : vector<16xf32>
          scf.yield %min3A_332 : vector<16xf32>
        }
        %while3A_254 = arith.constant 1 : i32
        %while3A_255 = scf.for %while3A_265 = %while3A_251 to %while3A_247 step %while3A_254 iter_args(%while3A_266 = %while3A_253) -> (vector<16xf32>)  : i32 {
          %mul3A_267 = arith.constant 128 : i32
          %mul3A_268 = arith.muli %while3A_265, %mul3A_267 : i32
          %add3A_269 = arith.constant 0 : i32
          %add3A_270 = arith.addi %mul3A_268, %add3A_269 : i32
          %get3A_271 = arith.index_cast %select_n3A_148 : i32 to index
          %get3A_272 = arith.index_cast %scan3A_240 : i32 to index
          %get3A_273 = arith.index_cast %add3A_270 : i32 to index
          %get3A_274 = tpu.vector_load %arg5[%get3A_271, %get3A_272, %get3A_273] {strides = array<i32>} : memref<8x16x512xf32, #tpu.memory_space<vmem>>, vector<1x1x16xf32>,
          %get3A_275 = vector.shape_cast %get3A_274 : vector<1x1x16xf32> to vector<16xf32>
          %min3A_276 = arith.minimumf %while3A_266, %get3A_275 : vector<16xf32>
          %add3A_277 = arith.constant 16 : i32
          %add3A_278 = arith.addi %mul3A_268, %add3A_277 : i32
          %get3A_279 = arith.index_cast %select_n3A_148 : i32 to index
          %get3A_280 = arith.index_cast %scan3A_240 : i32 to index
          %get3A_281 = arith.index_cast %add3A_278 : i32 to index
          %get3A_282 = tpu.vector_load %arg5[%get3A_279, %get3A_280, %get3A_281] {strides = array<i32>} : memref<8x16x512xf32, #tpu.memory_space<vmem>>, vector<1x1x16xf32>,
          %get3A_283 = vector.shape_cast %get3A_282 : vector<1x1x16xf32> to vector<16xf32>
          %min3A_284 = arith.minimumf %min3A_276, %get3A_283 : vector<16xf32>
          %add3A_285 = arith.constant 32 : i32
          %add3A_286 = arith.addi %mul3A_268, %add3A_285 : i32
          %get3A_287 = arith.index_cast %select_n3A_148 : i32 to index
          %get3A_288 = arith.index_cast %scan3A_240 : i32 to index
          %get3A_289 = arith.index_cast %add3A_286 : i32 to index
          %get3A_290 = tpu.vector_load %arg5[%get3A_287, %get3A_288, %get3A_289] {strides = array<i32>} : memref<8x16x512xf32, #tpu.memory_space<vmem>>, vector<1x1x16xf32>,
          %get3A_291 = vector.shape_cast %get3A_290 : vector<1x1x16xf32> to vector<16xf32>
          %min3A_292 = arith.minimumf %min3A_284, %get3A_291 : vector<16xf32>
          %add3A_293 = arith.constant 48 : i32
          %add3A_294 = arith.addi %mul3A_268, %add3A_293 : i32
          %get3A_295 = arith.index_cast %select_n3A_148 : i32 to index
          %get3A_296 = arith.index_cast %scan3A_240 : i32 to index
          %get3A_297 = arith.index_cast %add3A_294 : i32 to index
          %get3A_298 = tpu.vector_load %arg5[%get3A_295, %get3A_296, %get3A_297] {strides = array<i32>} : memref<8x16x512xf32, #tpu.memory_space<vmem>>, vector<1x1x16xf32>,
          %get3A_299 = vector.shape_cast %get3A_298 : vector<1x1x16xf32> to vector<16xf32>
          %min3A_300 = arith.minimumf %min3A_292, %get3A_299 : vector<16xf32>
          %add3A_301 = arith.constant 64 : i32
          %add3A_302 = arith.addi %mul3A_268, %add3A_301 : i32
          %get3A_303 = arith.index_cast %select_n3A_148 : i32 to index
          %get3A_304 = arith.index_cast %scan3A_240 : i32 to index
          %get3A_305 = arith.index_cast %add3A_302 : i32 to index
          %get3A_306 = tpu.vector_load %arg5[%get3A_303, %get3A_304, %get3A_305] {strides = array<i32>} : memref<8x16x512xf32, #tpu.memory_space<vmem>>, vector<1x1x16xf32>,
          %get3A_307 = vector.shape_cast %get3A_306 : vector<1x1x16xf32> to vector<16xf32>
          %min3A_308 = arith.minimumf %min3A_300, %get3A_307 : vector<16xf32>
          %add3A_309 = arith.constant 80 : i32
          %add3A_310 = arith.addi %mul3A_268, %add3A_309 : i32
          %get3A_311 = arith.index_cast %select_n3A_148 : i32 to index
          %get3A_312 = arith.index_cast %scan3A_240 : i32 to index
          %get3A_313 = arith.index_cast %add3A_310 : i32 to index
          %get3A_314 = tpu.vector_load %arg5[%get3A_311, %get3A_312, %get3A_313] {strides = array<i32>} : memref<8x16x512xf32, #tpu.memory_space<vmem>>, vector<1x1x16xf32>,
          %get3A_315 = vector.shape_cast %get3A_314 : vector<1x1x16xf32> to vector<16xf32>
          %min3A_316 = arith.minimumf %min3A_308, %get3A_315 : vector<16xf32>
          %add3A_317 = arith.constant 96 : i32
          %add3A_318 = arith.addi %mul3A_268, %add3A_317 : i32
          %get3A_319 = arith.index_cast %select_n3A_148 : i32 to index
          %get3A_320 = arith.index_cast %scan3A_240 : i32 to index
          %get3A_321 = arith.index_cast %add3A_318 : i32 to index
          %get3A_322 = tpu.vector_load %arg5[%get3A_319, %get3A_320, %get3A_321] {strides = array<i32>} : memref<8x16x512xf32, #tpu.memory_space<vmem>>, vector<1x1x16xf32>,
          %get3A_323 = vector.shape_cast %get3A_322 : vector<1x1x16xf32> to vector<16xf32>
          %min3A_324 = arith.minimumf %min3A_316, %get3A_323 : vector<16xf32>
          %add3A_325 = arith.constant 112 : i32
          %add3A_326 = arith.addi %mul3A_268, %add3A_325 : i32
          %get3A_327 = arith.index_cast %select_n3A_148 : i32 to index
          %get3A_328 = arith.index_cast %scan3A_240 : i32 to index
          %get3A_329 = arith.index_cast %add3A_326 : i32 to index
          %get3A_330 = tpu.vector_load %arg5[%get3A_327, %get3A_328, %get3A_329] {strides = array<i32>} : memref<8x16x512xf32, #tpu.memory_space<vmem>>, vector<1x1x16xf32>,
          %get3A_331 = vector.shape_cast %get3A_330 : vector<1x1x16xf32> to vector<16xf32>
          %min3A_332 = arith.minimumf %min3A_324, %get3A_331 : vector<16xf32>
          scf.yield %min3A_332 : vector<16xf32>
        }
        %gt3A = arith.constant 0 : i32
        %gt3A_256 = arith.cmpi sgt, %sub3A_180, %gt3A : i32
        %convert_element_type3A_257 = arith.extui %gt3A_256 : i1 to i32
        %cond3A_258 = arith.constant 0 : i32
        %cond3A_259 = arith.cmpi ne, %convert_element_type3A_257, %cond3A_258 : i32
        scf.if %cond3A_259 {
          %mul3A_265 = arith.constant 128 : i32
          %mul3A_266 = arith.muli %select_n3A_177, %mul3A_265 : i32
          %add3A_267 = arith.constant 0 : i32
          %add3A_268 = arith.addi %mul3A_266, %add3A_267 : i32
          %get3A_269 = arith.index_cast %select_n3A_148 : i32 to index
          %get3A_270 = arith.index_cast %scan3A_240 : i32 to index
          %get3A_271 = arith.index_cast %add3A_268 : i32 to index
          %get3A_272 = tpu.vector_load %arg5[%get3A_269, %get3A_270, %get3A_271] {strides = array<i32>} : memref<8x16x512xf32, #tpu.memory_space<vmem>>, vector<1x1x16xf32>,
          %get3A_273 = vector.shape_cast %get3A_272 : vector<1x1x16xf32> to vector<16xf32>
          %sub3A_274 = arith.constant 0 : i32
          %sub3A_275 = arith.subi %sub3A_180, %sub3A_274 : i32
          %lt3A_276 = vector.broadcast %sub3A_275 : i32 to vector<16xi32>
          %lt3A_277 = arith.cmpi slt, %iota3A, %lt3A_276 : vector<16xi32>
          %select_n3A_278 = arith.select %lt3A_277, %get3A_273, %broadcast_in_dim3A_3 : vector<16xi1>, vector<16xf32>
          %min3A_279 = arith.minimumf %while3A_255, %select_n3A_278 : vector<16xf32>
          %add3A_280 = arith.constant 16 : i32
          %add3A_281 = arith.addi %mul3A_266, %add3A_280 : i32
          %get3A_282 = arith.index_cast %select_n3A_148 : i32 to index
          %get3A_283 = arith.index_cast %scan3A_240 : i32 to index
          %get3A_284 = arith.index_cast %add3A_281 : i32 to index
          %get3A_285 = tpu.vector_load %arg5[%get3A_282, %get3A_283, %get3A_284] {strides = array<i32>} : memref<8x16x512xf32, #tpu.memory_space<vmem>>, vector<1x1x16xf32>,
          %get3A_286 = vector.shape_cast %get3A_285 : vector<1x1x16xf32> to vector<16xf32>
          %sub3A_287 = arith.constant 16 : i32
          %sub3A_288 = arith.subi %sub3A_180, %sub3A_287 : i32
          %lt3A_289 = vector.broadcast %sub3A_288 : i32 to vector<16xi32>
          %lt3A_290 = arith.cmpi slt, %iota3A, %lt3A_289 : vector<16xi32>
          %select_n3A_291 = arith.select %lt3A_290, %get3A_286, %broadcast_in_dim3A_3 : vector<16xi1>, vector<16xf32>
          %min3A_292 = arith.minimumf %min3A_279, %select_n3A_291 : vector<16xf32>
          %add3A_293 = arith.constant 32 : i32
          %add3A_294 = arith.addi %mul3A_266, %add3A_293 : i32
          %get3A_295 = arith.index_cast %select_n3A_148 : i32 to index
          %get3A_296 = arith.index_cast %scan3A_240 : i32 to index
          %get3A_297 = arith.index_cast %add3A_294 : i32 to index
          %get3A_298 = tpu.vector_load %arg5[%get3A_295, %get3A_296, %get3A_297] {strides = array<i32>} : memref<8x16x512xf32, #tpu.memory_space<vmem>>, vector<1x1x16xf32>,
          %get3A_299 = vector.shape_cast %get3A_298 : vector<1x1x16xf32> to vector<16xf32>
          %sub3A_300 = arith.constant 32 : i32
          %sub3A_301 = arith.subi %sub3A_180, %sub3A_300 : i32
          %lt3A_302 = vector.broadcast %sub3A_301 : i32 to vector<16xi32>
          %lt3A_303 = arith.cmpi slt, %iota3A, %lt3A_302 : vector<16xi32>
          %select_n3A_304 = arith.select %lt3A_303, %get3A_299, %broadcast_in_dim3A_3 : vector<16xi1>, vector<16xf32>
          %min3A_305 = arith.minimumf %min3A_292, %select_n3A_304 : vector<16xf32>
          %add3A_306 = arith.constant 48 : i32
          %add3A_307 = arith.addi %mul3A_266, %add3A_306 : i32
          %get3A_308 = arith.index_cast %select_n3A_148 : i32 to index
          %get3A_309 = arith.index_cast %scan3A_240 : i32 to index
          %get3A_310 = arith.index_cast %add3A_307 : i32 to index
          %get3A_311 = tpu.vector_load %arg5[%get3A_308, %get3A_309, %get3A_310] {strides = array<i32>} : memref<8x16x512xf32, #tpu.memory_space<vmem>>, vector<1x1x16xf32>,
          %get3A_312 = vector.shape_cast %get3A_311 : vector<1x1x16xf32> to vector<16xf32>
          %sub3A_313 = arith.constant 48 : i32
          %sub3A_314 = arith.subi %sub3A_180, %sub3A_313 : i32
          %lt3A_315 = vector.broadcast %sub3A_314 : i32 to vector<16xi32>
          %lt3A_316 = arith.cmpi slt, %iota3A, %lt3A_315 : vector<16xi32>
          %select_n3A_317 = arith.select %lt3A_316, %get3A_312, %broadcast_in_dim3A_3 : vector<16xi1>, vector<16xf32>
          %min3A_318 = arith.minimumf %min3A_305, %select_n3A_317 : vector<16xf32>
          %add3A_319 = arith.constant 64 : i32
          %add3A_320 = arith.addi %mul3A_266, %add3A_319 : i32
          %get3A_321 = arith.index_cast %select_n3A_148 : i32 to index
          %get3A_322 = arith.index_cast %scan3A_240 : i32 to index
          %get3A_323 = arith.index_cast %add3A_320 : i32 to index
          %get3A_324 = tpu.vector_load %arg5[%get3A_321, %get3A_322, %get3A_323] {strides = array<i32>} : memref<8x16x512xf32, #tpu.memory_space<vmem>>, vector<1x1x16xf32>,
          %get3A_325 = vector.shape_cast %get3A_324 : vector<1x1x16xf32> to vector<16xf32>
          %sub3A_326 = arith.constant 64 : i32
          %sub3A_327 = arith.subi %sub3A_180, %sub3A_326 : i32
          %lt3A_328 = vector.broadcast %sub3A_327 : i32 to vector<16xi32>
          %lt3A_329 = arith.cmpi slt, %iota3A, %lt3A_328 : vector<16xi32>
          %select_n3A_330 = arith.select %lt3A_329, %get3A_325, %broadcast_in_dim3A_3 : vector<16xi1>, vector<16xf32>
          %min3A_331 = arith.minimumf %min3A_318, %select_n3A_330 : vector<16xf32>
          %add3A_332 = arith.constant 80 : i32
          %add3A_333 = arith.addi %mul3A_266, %add3A_332 : i32
          %get3A_334 = arith.index_cast %select_n3A_148 : i32 to index
          %get3A_335 = arith.index_cast %scan3A_240 : i32 to index
          %get3A_336 = arith.index_cast %add3A_333 : i32 to index
          %get3A_337 = tpu.vector_load %arg5[%get3A_334, %get3A_335, %get3A_336] {strides = array<i32>} : memref<8x16x512xf32, #tpu.memory_space<vmem>>, vector<1x1x16xf32>,
          %get3A_338 = vector.shape_cast %get3A_337 : vector<1x1x16xf32> to vector<16xf32>
          %sub3A_339 = arith.constant 80 : i32
          %sub3A_340 = arith.subi %sub3A_180, %sub3A_339 : i32
          %lt3A_341 = vector.broadcast %sub3A_340 : i32 to vector<16xi32>
          %lt3A_342 = arith.cmpi slt, %iota3A, %lt3A_341 : vector<16xi32>
          %select_n3A_343 = arith.select %lt3A_342, %get3A_338, %broadcast_in_dim3A_3 : vector<16xi1>, vector<16xf32>
          %min3A_344 = arith.minimumf %min3A_331, %select_n3A_343 : vector<16xf32>
          %add3A_345 = arith.constant 96 : i32
          %add3A_346 = arith.addi %mul3A_266, %add3A_345 : i32
          %get3A_347 = arith.index_cast %select_n3A_148 : i32 to index
          %get3A_348 = arith.index_cast %scan3A_240 : i32 to index
          %get3A_349 = arith.index_cast %add3A_346 : i32 to index
          %get3A_350 = tpu.vector_load %arg5[%get3A_347, %get3A_348, %get3A_349] {strides = array<i32>} : memref<8x16x512xf32, #tpu.memory_space<vmem>>, vector<1x1x16xf32>,
          %get3A_351 = vector.shape_cast %get3A_350 : vector<1x1x16xf32> to vector<16xf32>
          %sub3A_352 = arith.constant 96 : i32
          %sub3A_353 = arith.subi %sub3A_180, %sub3A_352 : i32
          %lt3A_354 = vector.broadcast %sub3A_353 : i32 to vector<16xi32>
          %lt3A_355 = arith.cmpi slt, %iota3A, %lt3A_354 : vector<16xi32>
          %select_n3A_356 = arith.select %lt3A_355, %get3A_351, %broadcast_in_dim3A_3 : vector<16xi1>, vector<16xf32>
          %min3A_357 = arith.minimumf %min3A_344, %select_n3A_356 : vector<16xf32>
          %add3A_358 = arith.constant 112 : i32
          %add3A_359 = arith.addi %mul3A_266, %add3A_358 : i32
          %get3A_360 = arith.index_cast %select_n3A_148 : i32 to index
          %get3A_361 = arith.index_cast %scan3A_240 : i32 to index
          %get3A_362 = arith.index_cast %add3A_359 : i32 to index
          %get3A_363 = tpu.vector_load %arg5[%get3A_360, %get3A_361, %get3A_362] {strides = array<i32>} : memref<8x16x512xf32, #tpu.memory_space<vmem>>, vector<1x1x16xf32>,
          %get3A_364 = vector.shape_cast %get3A_363 : vector<1x1x16xf32> to vector<16xf32>
          %sub3A_365 = arith.constant 112 : i32
          %sub3A_366 = arith.subi %sub3A_180, %sub3A_365 : i32
          %lt3A_367 = vector.broadcast %sub3A_366 : i32 to vector<16xi32>
          %lt3A_368 = arith.cmpi slt, %iota3A, %lt3A_367 : vector<16xi32>
          %select_n3A_369 = arith.select %lt3A_368, %get3A_364, %broadcast_in_dim3A_3 : vector<16xi1>, vector<16xf32>
          %min3A_370 = arith.minimumf %min3A_357, %select_n3A_369 : vector<16xf32>
          %swap3A = arith.index_cast %scan3A_240 : i32 to index
          %swap3A_371 = arith.constant 0 : index
          %swap3A_372 = tpu.vector_load %arg6[%swap3A, %swap3A_371] {strides = array<i32>} : memref<16x16xf32, #tpu.memory_space<vmem>>, vector<1x16xf32>,
          %swap3A_373 = vector.shape_cast %swap3A_372 : vector<1x16xf32> to vector<16xf32>
          %swap3A_374 = vector.shape_cast %min3A_370 : vector<16xf32> to vector<1x16xf32>
          tpu.vector_store %arg6[%swap3A, %swap3A_371], %swap3A_374 {strides = array<i32>} : memref<16x16xf32, #tpu.memory_space<vmem>>, vector<1x16xf32>,
        } else {
        }
        %eq3A_260 = arith.constant 0 : i32
        %eq3A_261 = arith.cmpi eq, %sub3A_180, %eq3A_260 : i32
        %convert_element_type3A_262 = arith.extui %eq3A_261 : i1 to i32
        %cond3A_263 = arith.constant 0 : i32
        %cond3A_264 = arith.cmpi ne, %convert_element_type3A_262, %cond3A_263 : i32
        scf.if %cond3A_264 {
          %swap3A = arith.index_cast %scan3A_240 : i32 to index
          %swap3A_265 = arith.constant 0 : index
          %swap3A_266 = tpu.vector_load %arg6[%swap3A, %swap3A_265] {strides = array<i32>} : memref<16x16xf32, #tpu.memory_space<vmem>>, vector<1x16xf32>,
          %swap3A_267 = vector.shape_cast %swap3A_266 : vector<1x16xf32> to vector<16xf32>
          %swap3A_268 = vector.shape_cast %while3A_255 : vector<16xf32> to vector<1x16xf32>
          tpu.vector_store %arg6[%swap3A, %swap3A_265], %swap3A_268 {strides = array<i32>} : memref<16x16xf32, #tpu.memory_space<vmem>>, vector<1x16xf32>,
        } else {
        }
      }
      %scan3A_191 = arith.constant 16 : i32
      %sub3A_192 = arith.constant 1 : i32
      %sub3A_193 = arith.subi %while3A_53, %sub3A_192 : i32
      %eq3A_194 = arith.cmpi eq, %while3A_52, %sub3A_193 : i32
      %convert_element_type3A_195 = arith.extui %eq3A_194 : i1 to i32
      %cond3A_196 = arith.constant 0 : i32
      %cond3A_197 = arith.cmpi ne, %convert_element_type3A_195, %cond3A_196 : i32
      scf.if %cond3A_197 {
        %scan3A_240 = arith.constant 0 : i32
        %scan3A_241 = arith.constant 16 : i32
        %scan3A_242 = arith.addi %scan3A_240, %scan3A_241 : i32
        %scan3A_243 = arith.constant 1 : i32
        %scan3A_244 = scf.for %scan3A_253 = %scan3A_240 to %scan3A_242 step %scan3A_243 iter_args(%scan3A_254 = %broadcast_in_dim3A_3) -> (vector<16xf32>)  : i32 {
          %get3A_255 = arith.index_cast %scan3A_253 : i32 to index
          %get3A_256 = arith.constant 0 : index
          %get3A_257 = tpu.vector_load %arg6[%get3A_255, %get3A_256] {strides = array<i32>} : memref<16x16xf32, #tpu.memory_space<vmem>>, vector<1x16xf32>,
          %get3A_258 = vector.shape_cast %get3A_257 : vector<1x16xf32> to vector<16xf32>
          %xor3A = arith.constant 8 : i32
          %xor3A_259 = vector.broadcast %xor3A : i32 to vector<16xi32>
          %xor3A_260 = arith.xori %iota3A, %xor3A_259 : vector<16xi32>
          %lt3A_261 = arith.constant 0 : i32
          %lt3A_262 = vector.broadcast %lt3A_261 : i32 to vector<16xi32>
          %lt3A_263 = arith.cmpi slt, %xor3A_260, %lt3A_262 : vector<16xi32>
          %add3A_264 = arith.constant 16 : i32
          %add3A_265 = vector.broadcast %add3A_264 : i32 to vector<16xi32>
          %add3A_266 = arith.addi %xor3A_260, %add3A_265 : vector<16xi32>
          %select_n3A_267 = arith.select %lt3A_263, %add3A_266, %xor3A_260 : vector<16xi1>, vector<16xi32>
          %broadcast_in_dim3A_268 = vector.shape_cast %select_n3A_267 : vector<16xi32> to vector<16x1xi32>
          %gather3A = vector.shape_cast %broadcast_in_dim3A_268 : vector<16x1xi32> to vector<16xi32>
          %gather3A_269 = tpu.dynamic_gather %get3A_258[%gather3A] in [0] : vector<16xf32>, vector<16xi32> -> vector<16xf32>
          %min3A_270 = arith.minimumf %get3A_258, %gather3A_269 : vector<16xf32>
          %xor3A_271 = arith.constant 4 : i32
          %xor3A_272 = vector.broadcast %xor3A_271 : i32 to vector<16xi32>
          %xor3A_273 = arith.xori %iota3A, %xor3A_272 : vector<16xi32>
          %lt3A_274 = arith.constant 0 : i32
          %lt3A_275 = vector.broadcast %lt3A_274 : i32 to vector<16xi32>
          %lt3A_276 = arith.cmpi slt, %xor3A_273, %lt3A_275 : vector<16xi32>
          %add3A_277 = arith.constant 16 : i32
          %add3A_278 = vector.broadcast %add3A_277 : i32 to vector<16xi32>
          %add3A_279 = arith.addi %xor3A_273, %add3A_278 : vector<16xi32>
          %select_n3A_280 = arith.select %lt3A_276, %add3A_279, %xor3A_273 : vector<16xi1>, vector<16xi32>
          %broadcast_in_dim3A_281 = vector.shape_cast %select_n3A_280 : vector<16xi32> to vector<16x1xi32>
          %gather3A_282 = vector.shape_cast %broadcast_in_dim3A_281 : vector<16x1xi32> to vector<16xi32>
          %gather3A_283 = tpu.dynamic_gather %min3A_270[%gather3A_282] in [0] : vector<16xf32>, vector<16xi32> -> vector<16xf32>
          %min3A_284 = arith.minimumf %min3A_270, %gather3A_283 : vector<16xf32>
          %xor3A_285 = arith.constant 2 : i32
          %xor3A_286 = vector.broadcast %xor3A_285 : i32 to vector<16xi32>
          %xor3A_287 = arith.xori %iota3A, %xor3A_286 : vector<16xi32>
          %lt3A_288 = arith.constant 0 : i32
          %lt3A_289 = vector.broadcast %lt3A_288 : i32 to vector<16xi32>
          %lt3A_290 = arith.cmpi slt, %xor3A_287, %lt3A_289 : vector<16xi32>
          %add3A_291 = arith.constant 16 : i32
          %add3A_292 = vector.broadcast %add3A_291 : i32 to vector<16xi32>
          %add3A_293 = arith.addi %xor3A_287, %add3A_292 : vector<16xi32>
          %select_n3A_294 = arith.select %lt3A_290, %add3A_293, %xor3A_287 : vector<16xi1>, vector<16xi32>
          %broadcast_in_dim3A_295 = vector.shape_cast %select_n3A_294 : vector<16xi32> to vector<16x1xi32>
          %gather3A_296 = vector.shape_cast %broadcast_in_dim3A_295 : vector<16x1xi32> to vector<16xi32>
          %gather3A_297 = tpu.dynamic_gather %min3A_284[%gather3A_296] in [0] : vector<16xf32>, vector<16xi32> -> vector<16xf32>
          %min3A_298 = arith.minimumf %min3A_284, %gather3A_297 : vector<16xf32>
          %xor3A_299 = arith.constant 1 : i32
          %xor3A_300 = vector.broadcast %xor3A_299 : i32 to vector<16xi32>
          %xor3A_301 = arith.xori %iota3A, %xor3A_300 : vector<16xi32>
          %lt3A_302 = arith.constant 0 : i32
          %lt3A_303 = vector.broadcast %lt3A_302 : i32 to vector<16xi32>
          %lt3A_304 = arith.cmpi slt, %xor3A_301, %lt3A_303 : vector<16xi32>
          %add3A_305 = arith.constant 16 : i32
          %add3A_306 = vector.broadcast %add3A_305 : i32 to vector<16xi32>
          %add3A_307 = arith.addi %xor3A_301, %add3A_306 : vector<16xi32>
          %select_n3A_308 = arith.select %lt3A_304, %add3A_307, %xor3A_301 : vector<16xi1>, vector<16xi32>
          %broadcast_in_dim3A_309 = vector.shape_cast %select_n3A_308 : vector<16xi32> to vector<16x1xi32>
          %gather3A_310 = vector.shape_cast %broadcast_in_dim3A_309 : vector<16x1xi32> to vector<16xi32>
          %gather3A_311 = tpu.dynamic_gather %min3A_298[%gather3A_310] in [0] : vector<16xf32>, vector<16xi32> -> vector<16xf32>
          %min3A_312 = arith.minimumf %min3A_298, %gather3A_311 : vector<16xf32>
          %eq3A_313 = vector.broadcast %scan3A_253 : i32 to vector<16xi32>
          %eq3A_314 = arith.cmpi eq, %iota3A, %eq3A_313 : vector<16xi32>
          %select_n3A_315 = arith.select %eq3A_314, %min3A_312, %scan3A_254 : vector<16xi1>, vector<16xf32>
          scf.yield %select_n3A_315 : vector<16xf32>
        }
        %scan3A_245 = arith.constant 16 : i32
        %sub3A_246 = arith.constant 10 : i32
        %sub3A_247 = arith.subi %while3A_51, %sub3A_246 : i32
        %mul3A_248 = arith.constant 16 : i32
        %mul3A_249 = arith.muli %sub3A_247, %mul3A_248 : i32
        %swap3A = arith.index_cast %mul3A_249 : i32 to index
        %swap3A_250 = tpu.vector_load %arg7[%swap3A] {strides = array<i32>} : memref<96xf32, #tpu.memory_space<vmem>>, vector<16xf32>,
        %swap3A_251 = vector.shape_cast %swap3A_250 : vector<16xf32> to vector<16xf32>
        %swap3A_252 = vector.shape_cast %scan3A_244 : vector<16xf32> to vector<16xf32>
        tpu.vector_store %arg7[%swap3A], %swap3A_252 {strides = array<i32>} : memref<96xf32, #tpu.memory_space<vmem>>, vector<16xf32>,
      } else {
      }
      %add3A_198 = arith.constant 1 : i32
      %add3A_199 = arith.addi %while3A_52, %add3A_198 : i32
      %eq3A_200 = arith.cmpi eq, %add3A_199, %while3A_53 : i32
      %convert_element_type3A_201 = arith.extui %eq3A_200 : i1 to i32
      %add3A_202 = arith.addi %while3A_51, %convert_element_type3A_201 : i32
      %min3A_203 = arith.constant 15 : i32
      %min3A_204 = arith.minsi %add3A_202, %min3A_203 : i32
      %jit3A_205 = arith.constant 0 : i32
      %select_n3A_206 = arith.select %eq3A_200, %jit3A_205, %add3A_199 : i32
      %get3A_207 = arith.index_cast %min3A_204 : i32 to index
      %get3A_208 = tpu.vector_load %arg8[%get3A_207] {strides = array<i32>} : memref<64xi32, #tpu.memory_space<vmem>>, vector<16xi32>,
      %get3A_209 = vector.shape_cast %get3A_208 : vector<16xi32> to vector<16xi32>
      %slice3A_210 = vector.extract_strided_slice %get3A_209 {offsets = [0], sizes = [1], strides = [1]} : vector<16xi32> to vector<1xi32>
      %squeeze3A_211 = vector.extract %slice3A_210[0] : i32 from vector<1xi32>
      %add3A_212 = arith.constant 511 : i32
      %add3A_213 = arith.addi %squeeze3A_211, %add3A_212 : i32
      %jit3A_214 = arith.constant 512 : i32
      %div3A_215 = arith.divsi %add3A_213, %jit3A_214 : i32
      %sign3A_216 = arith.constant 0 : i32
      %sign3A_217 = arith.cmpi sgt, %add3A_213, %sign3A_216 : i32
      %sign3A_218 = arith.extui %sign3A_217 : i1 to i32
      %sign3A_219 = arith.constant 0 : i32
      %sign3A_220 = arith.cmpi slt, %add3A_213, %sign3A_219 : i32
      %sign3A_221 = arith.extui %sign3A_220 : i1 to i32
      %sign3A_222 = arith.subi %sign3A_218, %sign3A_221 : i32
      %sign3A_223 = arith.constant 0 : i32
      %sign3A_224 = arith.cmpi sgt, %jit3A_214, %sign3A_223 : i32
      %sign3A_225 = arith.extui %sign3A_224 : i1 to i32
      %sign3A_226 = arith.constant 0 : i32
      %sign3A_227 = arith.cmpi slt, %jit3A_214, %sign3A_226 : i32
      %sign3A_228 = arith.extui %sign3A_227 : i1 to i32
      %sign3A_229 = arith.subi %sign3A_225, %sign3A_228 : i32
      %ne3A_230 = arith.cmpi ne, %sign3A_222, %sign3A_229 : i32
      %rem3A_231 = arith.remsi %add3A_213, %jit3A_214 : i32
      %ne3A_232 = arith.constant 0 : i32
      %ne3A_233 = arith.cmpi ne, %rem3A_231, %ne3A_232 : i32
      %and3A_234 = arith.andi %ne3A_230, %ne3A_233 : i1
      %sub3A_235 = arith.constant 1 : i32
      %sub3A_236 = arith.subi %div3A_215, %sub3A_235 : i32
      %select_n3A_237 = arith.select %and3A_234, %sub3A_236, %div3A_215 : i32
      %select_n3A_238 = arith.select %eq3A_200, %select_n3A_237, %while3A_53 : i32
      %select_n3A_239 = arith.select %eq3A_200, %squeeze3A_211, %while3A_54 : i32
      scf.yield %min3A_204, %select_n3A_206, %select_n3A_238, %select_n3A_239, %min3A_66, %select_n3A_68, %select_n3A_100, %select_n3A_101 : i32, i32, i32, i32, i32, i32, i32, i32
    }
    "tpu.region"() ({
      %run_scoped3A = tpu.sem_alloc : memref<!tpu.dma_semaphore, #tpu.memory_space<semaphore_mem>>
      %dma_start3A = arith.constant 0 : i32
      %dma_start3A_50 = tpu.memref_slice %arg4[%add3A, %dma_start3A] : memref<32x96xf32, #tpu.memory_space<hbm>> -> memref<1x96xf32, #tpu.memory_space<hbm>>
      %dma_start3A_51 = tpu.memref_squeeze %dma_start3A_50 : memref<1x96xf32, #tpu.memory_space<hbm>> -> memref<96xf32, #tpu.memory_space<hbm>>
      %dma_start3A_52 = arith.constant 0 : i32
      %dma_start3A_53 = tpu.memref_slice %arg4[%add3A, %dma_start3A_52] : memref<32x96xf32, #tpu.memory_space<hbm>> -> memref<1x96xf32, #tpu.memory_space<hbm>>
      %dma_start3A_54 = tpu.memref_squeeze %dma_start3A_53 : memref<1x96xf32, #tpu.memory_space<hbm>> -> memref<96xf32, #tpu.memory_space<hbm>>
      tpu.enqueue_dma source(%arg7 : memref<96xf32, #tpu.memory_space<vmem>>) target(%dma_start3A_54 : memref<96xf32, #tpu.memory_space<hbm>>) target_semaphore(%run_scoped3A : memref<!tpu.dma_semaphore, #tpu.memory_space<semaphore_mem>>)
      %dma_wait3A = arith.constant 0 : i32
      %dma_wait3A_55 = tpu.memref_slice %arg4[%add3A, %dma_wait3A] : memref<32x96xf32, #tpu.memory_space<hbm>> -> memref<1x96xf32, #tpu.memory_space<hbm>>
      %dma_wait3A_56 = tpu.memref_squeeze %dma_wait3A_55 : memref<1x96xf32, #tpu.memory_space<hbm>> -> memref<96xf32, #tpu.memory_space<hbm>>
      %dma_wait3A_57 = arith.constant 0 : i32
      %dma_wait3A_58 = tpu.memref_slice %arg4[%add3A, %dma_wait3A_57] : memref<32x96xf32, #tpu.memory_space<hbm>> -> memref<1x96xf32, #tpu.memory_space<hbm>>
      %dma_wait3A_59 = tpu.memref_squeeze %dma_wait3A_58 : memref<1x96xf32, #tpu.memory_space<hbm>> -> memref<96xf32, #tpu.memory_space<hbm>>
      tpu.wait_dma2 semaphore(%run_scoped3A : memref<!tpu.dma_semaphore, #tpu.memory_space<semaphore_mem>>) src(%arg7 : memref<96xf32, #tpu.memory_space<vmem>>) dst(%dma_wait3A_59 : memref<96xf32, #tpu.memory_space<hbm>>)
      tpu.yield
    }) : () -> ()
    return
  }
}

module attributes {stable_mosaic.version = 14 : i64} {
  func.func @_tc_body(%arg0: i32, %arg1: memref<16xi32, #tpu.memory_space<smem>>, %arg2: memref<16x512x4096xf32, #tpu.memory_space<hbm>>, %arg3: memref<10x1x512xf32, #tpu.memory_space<vmem>>, %arg4: memref<16x512x256xf32, #tpu.memory_space<vmem>>, %arg5: memref<512x128xf32, #tpu.memory_space<vmem>>, %arg6: memref<16x!tpu.dma_semaphore, #tpu.memory_space<semaphore_mem>>) attributes {dimension_semantics = [#tpu.dimension_semantics<arbitrary>], iteration_bounds = array<i64: 1>, scalar_prefetch = 1 : i64, scratch_operands = 3 : i64, tpu.core_type = #tpu.core_type<tc>, window_params = [{}, {pipeline_mode = #tpu.pipeline_mode<synchronous>, transform_indices = @transform_1, window_bounds = array<i64: 10, 1, 512>}]} {
    %scan3A = arith.constant 0 : i32
    %scan3A_0 = arith.constant 0 : i32
    %scan3A_1 = arith.constant 10 : i32
    %scan3A_2 = arith.addi %scan3A_0, %scan3A_1 : i32
    %scan3A_3 = arith.constant 1 : i32
    %scan3A_4 = scf.for %scan3A_46 = %scan3A_0 to %scan3A_2 step %scan3A_3 iter_args(%scan3A_47 = %scan3A) -> (i32)  : i32 {
      %min3A_48 = arith.constant 9 : i32
      %min3A_49 = arith.minsi %scan3A_46, %min3A_48 : i32
      %get3A_50 = arith.index_cast %min3A_49 : i32 to index
      %get3A_51 = memref.load %arg1[%get3A_50] : memref<16xi32, #tpu.memory_space<smem>>
      %add3A_52 = arith.constant 255 : i32
      %add3A_53 = arith.addi %get3A_51, %add3A_52 : i32
      %jit3A_54 = arith.constant 256 : i32
      %div3A_55 = arith.divsi %add3A_53, %jit3A_54 : i32
      %sign3A_56 = arith.constant 0 : i32
      %sign3A_57 = arith.cmpi sgt, %add3A_53, %sign3A_56 : i32
      %sign3A_58 = arith.extui %sign3A_57 : i1 to i32
      %sign3A_59 = arith.constant 0 : i32
      %sign3A_60 = arith.cmpi slt, %add3A_53, %sign3A_59 : i32
      %sign3A_61 = arith.extui %sign3A_60 : i1 to i32
      %sign3A_62 = arith.subi %sign3A_58, %sign3A_61 : i32
      %sign3A_63 = arith.constant 0 : i32
      %sign3A_64 = arith.cmpi sgt, %jit3A_54, %sign3A_63 : i32
      %sign3A_65 = arith.extui %sign3A_64 : i1 to i32
      %sign3A_66 = arith.constant 0 : i32
      %sign3A_67 = arith.cmpi slt, %jit3A_54, %sign3A_66 : i32
      %sign3A_68 = arith.extui %sign3A_67 : i1 to i32
      %sign3A_69 = arith.subi %sign3A_65, %sign3A_68 : i32
      %ne3A_70 = arith.cmpi ne, %sign3A_62, %sign3A_69 : i32
      %rem3A_71 = arith.remsi %add3A_53, %jit3A_54 : i32
      %ne3A_72 = arith.constant 0 : i32
      %ne3A_73 = arith.cmpi ne, %rem3A_71, %ne3A_72 : i32
      %and3A_74 = arith.andi %ne3A_70, %ne3A_73 : i1
      %sub3A_75 = arith.constant 1 : i32
      %sub3A_76 = arith.subi %div3A_55, %sub3A_75 : i32
      %select_n3A_77 = arith.select %and3A_74, %sub3A_76, %div3A_55 : i32
      %add3A_78 = arith.addi %scan3A_47, %select_n3A_77 : i32
      scf.yield %add3A_78 : i32
    }
    %scan3A_5 = arith.constant 10 : i32
    %min3A = arith.constant 0 : i32
    %min3A_6 = arith.constant 9 : i32
    %min3A_7 = arith.minsi %min3A, %min3A_6 : i32
    %get3A = arith.index_cast %min3A_7 : i32 to index
    %get3A_8 = memref.load %arg1[%get3A] : memref<16xi32, #tpu.memory_space<smem>>
    %add3A = arith.constant 255 : i32
    %add3A_9 = arith.addi %get3A_8, %add3A : i32
    %jit3A = arith.constant 256 : i32
    %div3A = arith.divsi %add3A_9, %jit3A : i32
    %sign3A = arith.constant 0 : i32
    %sign3A_10 = arith.cmpi sgt, %add3A_9, %sign3A : i32
    %sign3A_11 = arith.extui %sign3A_10 : i1 to i32
    %sign3A_12 = arith.constant 0 : i32
    %sign3A_13 = arith.cmpi slt, %add3A_9, %sign3A_12 : i32
    %sign3A_14 = arith.extui %sign3A_13 : i1 to i32
    %sign3A_15 = arith.subi %sign3A_11, %sign3A_14 : i32
    %sign3A_16 = arith.constant 0 : i32
    %sign3A_17 = arith.cmpi sgt, %jit3A, %sign3A_16 : i32
    %sign3A_18 = arith.extui %sign3A_17 : i1 to i32
    %sign3A_19 = arith.constant 0 : i32
    %sign3A_20 = arith.cmpi slt, %jit3A, %sign3A_19 : i32
    %sign3A_21 = arith.extui %sign3A_20 : i1 to i32
    %sign3A_22 = arith.subi %sign3A_18, %sign3A_21 : i32
    %ne3A = arith.cmpi ne, %sign3A_15, %sign3A_22 : i32
    %rem3A = arith.remsi %add3A_9, %jit3A : i32
    %ne3A_23 = arith.constant 0 : i32
    %ne3A_24 = arith.cmpi ne, %rem3A, %ne3A_23 : i32
    %and3A = arith.andi %ne3A, %ne3A_24 : i1
    %sub3A = arith.constant 1 : i32
    %sub3A_25 = arith.subi %div3A, %sub3A : i32
    %select_n3A = arith.select %and3A, %sub3A_25, %div3A : i32
    %scan3A_26 = arith.constant 0 : i32
    %scan3A_27 = arith.constant 0 : i32
    %scan3A_28 = arith.constant 0 : i32
    %scan3A_29 = arith.constant 15 : i32
    %scan3A_30 = arith.addi %scan3A_28, %scan3A_29 : i32
    %scan3A_31 = arith.constant 1 : i32
    %scan3A_32:4 = scf.for %scan3A_46 = %scan3A_28 to %scan3A_30 step %scan3A_31 iter_args(%scan3A_47 = %scan3A_26, %scan3A_48 = %scan3A_27, %scan3A_49 = %select_n3A, %scan3A_50 = %get3A_8) -> (i32, i32, i32, i32)  : i32 {
      %lt3A = arith.cmpi slt, %scan3A_46, %scan3A_4 : i32
      %convert_element_type3A = arith.extui %lt3A : i1 to i32
      %cond3A = arith.constant 0 : i32
      %cond3A_51 = arith.cmpi ne, %convert_element_type3A, %cond3A : i32
      scf.if %cond3A_51 {
        %jit3A_92 = arith.constant 16 : i32
        %eq3A_93 = arith.constant 0 : i32
        %eq3A_94 = arith.cmpi eq, %jit3A_92, %eq3A_93 : i32
        %jit3A_95 = arith.constant 1 : i32
        %select_n3A_96 = arith.select %eq3A_94, %jit3A_95, %jit3A_92 : i32
        %rem3A_97 = arith.remsi %scan3A_46, %select_n3A_96 : i32
        %ne3A_98 = arith.constant 0 : i32
        %ne3A_99 = arith.cmpi ne, %rem3A_97, %ne3A_98 : i32
        %lt3A_100 = arith.constant 0 : i32
        %lt3A_101 = arith.cmpi slt, %rem3A_97, %lt3A_100 : i32
        %lt3A_102 = arith.constant 0 : i32
        %lt3A_103 = arith.cmpi slt, %select_n3A_96, %lt3A_102 : i32
        %ne3A_104 = arith.xori %lt3A_101, %lt3A_103 : i1
        %and3A_105 = arith.andi %ne3A_104, %ne3A_99 : i1
        %add3A_106 = arith.addi %rem3A_97, %select_n3A_96 : i32
        %select_n3A_107 = arith.select %and3A_105, %add3A_106, %rem3A_97 : i32
        %mul3A = arith.constant 256 : i32
        %mul3A_108 = arith.muli %scan3A_48, %mul3A : i32
        %dma_start3A = tpu.memref_slice %arg6[%select_n3A_107] : memref<16x!tpu.dma_semaphore, #tpu.memory_space<semaphore_mem>> -> memref<1x!tpu.dma_semaphore, #tpu.memory_space<semaphore_mem>>
        %dma_start3A_109 = tpu.memref_squeeze %dma_start3A : memref<1x!tpu.dma_semaphore, #tpu.memory_space<semaphore_mem>> -> memref<!tpu.dma_semaphore, #tpu.memory_space<semaphore_mem>>
        %dma_start3A_110 = arith.constant 0 : i32
        %dma_start3A_111 = arith.constant 0 : i32
        %dma_start3A_112 = tpu.memref_slice %arg4[%select_n3A_107, %dma_start3A_110, %dma_start3A_111] : memref<16x512x256xf32, #tpu.memory_space<vmem>> -> memref<1x512x256xf32, #tpu.memory_space<vmem>>
        %dma_start3A_113 = tpu.memref_squeeze %dma_start3A_112 : memref<1x512x256xf32, #tpu.memory_space<vmem>> -> memref<512x256xf32, #tpu.memory_space<vmem>>
        %dma_start3A_114 = arith.constant 0 : i32
        %dma_start3A_115 = tpu.memref_slice %arg2[%scan3A_47, %dma_start3A_114, %mul3A_108] : memref<16x512x4096xf32, #tpu.memory_space<hbm>> -> memref<1x512x256xf32, #tpu.memory_space<hbm>>
        %dma_start3A_116 = tpu.memref_squeeze %dma_start3A_115 : memref<1x512x256xf32, #tpu.memory_space<hbm>> -> memref<512x256xf32, #tpu.memory_space<hbm>>
        tpu.enqueue_dma source(%dma_start3A_116 : memref<512x256xf32, #tpu.memory_space<hbm>>) target(%dma_start3A_113 : memref<512x256xf32, #tpu.memory_space<vmem>>) target_semaphore(%dma_start3A_109 : memref<!tpu.dma_semaphore, #tpu.memory_space<semaphore_mem>>)
      } else {
      }
      %add3A_52 = arith.constant 1 : i32
      %add3A_53 = arith.addi %scan3A_48, %add3A_52 : i32
      %eq3A = arith.cmpi eq, %add3A_53, %scan3A_49 : i32
      %convert_element_type3A_54 = arith.extui %eq3A : i1 to i32
      %add3A_55 = arith.addi %scan3A_47, %convert_element_type3A_54 : i32
      %min3A_56 = arith.constant 9 : i32
      %min3A_57 = arith.minsi %add3A_55, %min3A_56 : i32
      %jit3A_58 = arith.constant 0 : i32
      %select_n3A_59 = arith.select %eq3A, %jit3A_58, %add3A_53 : i32
      %min3A_60 = arith.constant 9 : i32
      %min3A_61 = arith.minsi %min3A_57, %min3A_60 : i32
      %get3A_62 = arith.index_cast %min3A_61 : i32 to index
      %get3A_63 = memref.load %arg1[%get3A_62] : memref<16xi32, #tpu.memory_space<smem>>
      %add3A_64 = arith.constant 255 : i32
      %add3A_65 = arith.addi %get3A_63, %add3A_64 : i32
      %jit3A_66 = arith.constant 256 : i32
      %div3A_67 = arith.divsi %add3A_65, %jit3A_66 : i32
      %sign3A_68 = arith.constant 0 : i32
      %sign3A_69 = arith.cmpi sgt, %add3A_65, %sign3A_68 : i32
      %sign3A_70 = arith.extui %sign3A_69 : i1 to i32
      %sign3A_71 = arith.constant 0 : i32
      %sign3A_72 = arith.cmpi slt, %add3A_65, %sign3A_71 : i32
      %sign3A_73 = arith.extui %sign3A_72 : i1 to i32
      %sign3A_74 = arith.subi %sign3A_70, %sign3A_73 : i32
      %sign3A_75 = arith.constant 0 : i32
      %sign3A_76 = arith.cmpi sgt, %jit3A_66, %sign3A_75 : i32
      %sign3A_77 = arith.extui %sign3A_76 : i1 to i32
      %sign3A_78 = arith.constant 0 : i32
      %sign3A_79 = arith.cmpi slt, %jit3A_66, %sign3A_78 : i32
      %sign3A_80 = arith.extui %sign3A_79 : i1 to i32
      %sign3A_81 = arith.subi %sign3A_77, %sign3A_80 : i32
      %ne3A_82 = arith.cmpi ne, %sign3A_74, %sign3A_81 : i32
      %rem3A_83 = arith.remsi %add3A_65, %jit3A_66 : i32
      %ne3A_84 = arith.constant 0 : i32
      %ne3A_85 = arith.cmpi ne, %rem3A_83, %ne3A_84 : i32
      %and3A_86 = arith.andi %ne3A_82, %ne3A_85 : i1
      %sub3A_87 = arith.constant 1 : i32
      %sub3A_88 = arith.subi %div3A_67, %sub3A_87 : i32
      %select_n3A_89 = arith.select %and3A_86, %sub3A_88, %div3A_67 : i32
      %select_n3A_90 = arith.select %eq3A, %select_n3A_89, %scan3A_49 : i32
      %select_n3A_91 = arith.select %eq3A, %get3A_63, %scan3A_50 : i32
      scf.yield %min3A_57, %select_n3A_59, %select_n3A_90, %select_n3A_91 : i32, i32, i32, i32
    }
    %scan3A_33 = arith.constant 15 : i32
    %while3A = arith.constant 0 : i32
    %while3A_34 = arith.constant 0 : i32
    %while3A_35 = arith.constant 0 : i32
    %while3A_36 = arith.subi %scan3A_4, %while3A : i32
    %while3A_37 = arith.addi %while3A, %while3A_36 : i32
    %while3A_38 = arith.constant 1 : i32
    %while3A_39 = arith.divsi %while3A_36, %while3A_38 : i32
    %while3A_40 = arith.muli %while3A_39, %while3A_38 : i32
    %while3A_41 = arith.addi %while3A, %while3A_40 : i32
    %while3A_42 = arith.constant 1 : i32
    %while3A_43:8 = scf.for %while3A_46 = %while3A to %while3A_41 step %while3A_42 iter_args(%while3A_47 = %while3A_34, %while3A_48 = %while3A_35, %while3A_49 = %select_n3A, %while3A_50 = %get3A_8, %while3A_51 = %scan3A_32#0, %while3A_52 = %scan3A_32#1, %while3A_53 = %scan3A_32#2, %while3A_54 = %scan3A_32#3) -> (i32, i32, i32, i32, i32, i32, i32, i32)  : i32 {
      %add3A_55 = arith.constant 15 : i32
      %add3A_56 = arith.addi %while3A_46, %add3A_55 : i32
      %lt3A = arith.cmpi slt, %add3A_56, %scan3A_4 : i32
      %convert_element_type3A = arith.extui %lt3A : i1 to i32
      %cond3A = arith.constant 0 : i32
      %cond3A_57 = arith.cmpi ne, %convert_element_type3A, %cond3A : i32
      scf.if %cond3A_57 {
        %add3A_192 = arith.constant 15 : i32
        %add3A_193 = arith.addi %while3A_46, %add3A_192 : i32
        %jit3A_194 = arith.constant 16 : i32
        %eq3A_195 = arith.constant 0 : i32
        %eq3A_196 = arith.cmpi eq, %jit3A_194, %eq3A_195 : i32
        %jit3A_197 = arith.constant 1 : i32
        %select_n3A_198 = arith.select %eq3A_196, %jit3A_197, %jit3A_194 : i32
        %rem3A_199 = arith.remsi %add3A_193, %select_n3A_198 : i32
        %ne3A_200 = arith.constant 0 : i32
        %ne3A_201 = arith.cmpi ne, %rem3A_199, %ne3A_200 : i32
        %lt3A_202 = arith.constant 0 : i32
        %lt3A_203 = arith.cmpi slt, %rem3A_199, %lt3A_202 : i32
        %lt3A_204 = arith.constant 0 : i32
        %lt3A_205 = arith.cmpi slt, %select_n3A_198, %lt3A_204 : i32
        %ne3A_206 = arith.xori %lt3A_203, %lt3A_205 : i1
        %and3A_207 = arith.andi %ne3A_206, %ne3A_201 : i1
        %add3A_208 = arith.addi %rem3A_199, %select_n3A_198 : i32
        %select_n3A_209 = arith.select %and3A_207, %add3A_208, %rem3A_199 : i32
        %mul3A_210 = arith.constant 256 : i32
        %mul3A_211 = arith.muli %while3A_52, %mul3A_210 : i32
        %dma_start3A = tpu.memref_slice %arg6[%select_n3A_209] : memref<16x!tpu.dma_semaphore, #tpu.memory_space<semaphore_mem>> -> memref<1x!tpu.dma_semaphore, #tpu.memory_space<semaphore_mem>>
        %dma_start3A_212 = tpu.memref_squeeze %dma_start3A : memref<1x!tpu.dma_semaphore, #tpu.memory_space<semaphore_mem>> -> memref<!tpu.dma_semaphore, #tpu.memory_space<semaphore_mem>>
        %dma_start3A_213 = arith.constant 0 : i32
        %dma_start3A_214 = arith.constant 0 : i32
        %dma_start3A_215 = tpu.memref_slice %arg4[%select_n3A_209, %dma_start3A_213, %dma_start3A_214] : memref<16x512x256xf32, #tpu.memory_space<vmem>> -> memref<1x512x256xf32, #tpu.memory_space<vmem>>
        %dma_start3A_216 = tpu.memref_squeeze %dma_start3A_215 : memref<1x512x256xf32, #tpu.memory_space<vmem>> -> memref<512x256xf32, #tpu.memory_space<vmem>>
        %dma_start3A_217 = arith.constant 0 : i32
        %dma_start3A_218 = tpu.memref_slice %arg2[%while3A_51, %dma_start3A_217, %mul3A_211] : memref<16x512x4096xf32, #tpu.memory_space<hbm>> -> memref<1x512x256xf32, #tpu.memory_space<hbm>>
        %dma_start3A_219 = tpu.memref_squeeze %dma_start3A_218 : memref<1x512x256xf32, #tpu.memory_space<hbm>> -> memref<512x256xf32, #tpu.memory_space<hbm>>
        tpu.enqueue_dma source(%dma_start3A_219 : memref<512x256xf32, #tpu.memory_space<hbm>>) target(%dma_start3A_216 : memref<512x256xf32, #tpu.memory_space<vmem>>) target_semaphore(%dma_start3A_212 : memref<!tpu.dma_semaphore, #tpu.memory_space<semaphore_mem>>)
      } else {
      }
      %add3A_58 = arith.constant 1 : i32
      %add3A_59 = arith.addi %while3A_52, %add3A_58 : i32
      %eq3A = arith.cmpi eq, %add3A_59, %while3A_53 : i32
      %convert_element_type3A_60 = arith.extui %eq3A : i1 to i32
      %add3A_61 = arith.addi %while3A_51, %convert_element_type3A_60 : i32
      %min3A_62 = arith.constant 9 : i32
      %min3A_63 = arith.minsi %add3A_61, %min3A_62 : i32
      %jit3A_64 = arith.constant 0 : i32
      %select_n3A_65 = arith.select %eq3A, %jit3A_64, %add3A_59 : i32
      %min3A_66 = arith.constant 9 : i32
      %min3A_67 = arith.minsi %min3A_63, %min3A_66 : i32
      %get3A_68 = arith.index_cast %min3A_67 : i32 to index
      %get3A_69 = memref.load %arg1[%get3A_68] : memref<16xi32, #tpu.memory_space<smem>>
      %add3A_70 = arith.constant 255 : i32
      %add3A_71 = arith.addi %get3A_69, %add3A_70 : i32
      %jit3A_72 = arith.constant 256 : i32
      %div3A_73 = arith.divsi %add3A_71, %jit3A_72 : i32
      %sign3A_74 = arith.constant 0 : i32
      %sign3A_75 = arith.cmpi sgt, %add3A_71, %sign3A_74 : i32
      %sign3A_76 = arith.extui %sign3A_75 : i1 to i32
      %sign3A_77 = arith.constant 0 : i32
      %sign3A_78 = arith.cmpi slt, %add3A_71, %sign3A_77 : i32
      %sign3A_79 = arith.extui %sign3A_78 : i1 to i32
      %sign3A_80 = arith.subi %sign3A_76, %sign3A_79 : i32
      %sign3A_81 = arith.constant 0 : i32
      %sign3A_82 = arith.cmpi sgt, %jit3A_72, %sign3A_81 : i32
      %sign3A_83 = arith.extui %sign3A_82 : i1 to i32
      %sign3A_84 = arith.constant 0 : i32
      %sign3A_85 = arith.cmpi slt, %jit3A_72, %sign3A_84 : i32
      %sign3A_86 = arith.extui %sign3A_85 : i1 to i32
      %sign3A_87 = arith.subi %sign3A_83, %sign3A_86 : i32
      %ne3A_88 = arith.cmpi ne, %sign3A_80, %sign3A_87 : i32
      %rem3A_89 = arith.remsi %add3A_71, %jit3A_72 : i32
      %ne3A_90 = arith.constant 0 : i32
      %ne3A_91 = arith.cmpi ne, %rem3A_89, %ne3A_90 : i32
      %and3A_92 = arith.andi %ne3A_88, %ne3A_91 : i1
      %sub3A_93 = arith.constant 1 : i32
      %sub3A_94 = arith.subi %div3A_73, %sub3A_93 : i32
      %select_n3A_95 = arith.select %and3A_92, %sub3A_94, %div3A_73 : i32
      %select_n3A_96 = arith.select %eq3A, %select_n3A_95, %while3A_53 : i32
      %select_n3A_97 = arith.select %eq3A, %get3A_69, %while3A_54 : i32
      %jit3A_98 = arith.constant 16 : i32
      %eq3A_99 = arith.constant 0 : i32
      %eq3A_100 = arith.cmpi eq, %jit3A_98, %eq3A_99 : i32
      %jit3A_101 = arith.constant 1 : i32
      %select_n3A_102 = arith.select %eq3A_100, %jit3A_101, %jit3A_98 : i32
      %rem3A_103 = arith.remsi %while3A_46, %select_n3A_102 : i32
      %ne3A_104 = arith.constant 0 : i32
      %ne3A_105 = arith.cmpi ne, %rem3A_103, %ne3A_104 : i32
      %lt3A_106 = arith.constant 0 : i32
      %lt3A_107 = arith.cmpi slt, %rem3A_103, %lt3A_106 : i32
      %lt3A_108 = arith.constant 0 : i32
      %lt3A_109 = arith.cmpi slt, %select_n3A_102, %lt3A_108 : i32
      %ne3A_110 = arith.xori %lt3A_107, %lt3A_109 : i1
      %and3A_111 = arith.andi %ne3A_110, %ne3A_105 : i1
      %add3A_112 = arith.addi %rem3A_103, %select_n3A_102 : i32
      %select_n3A_113 = arith.select %and3A_111, %add3A_112, %rem3A_103 : i32
      %mul3A = arith.constant 256 : i32
      %mul3A_114 = arith.muli %while3A_48, %mul3A : i32
      %dma_wait3A = tpu.memref_slice %arg6[%select_n3A_113] : memref<16x!tpu.dma_semaphore, #tpu.memory_space<semaphore_mem>> -> memref<1x!tpu.dma_semaphore, #tpu.memory_space<semaphore_mem>>
      %dma_wait3A_115 = tpu.memref_squeeze %dma_wait3A : memref<1x!tpu.dma_semaphore, #tpu.memory_space<semaphore_mem>> -> memref<!tpu.dma_semaphore, #tpu.memory_space<semaphore_mem>>
      %dma_wait3A_116 = arith.constant 0 : i32
      %dma_wait3A_117 = arith.constant 0 : i32
      %dma_wait3A_118 = tpu.memref_slice %arg4[%select_n3A_113, %dma_wait3A_116, %dma_wait3A_117] : memref<16x512x256xf32, #tpu.memory_space<vmem>> -> memref<1x512x256xf32, #tpu.memory_space<vmem>>
      %dma_wait3A_119 = tpu.memref_squeeze %dma_wait3A_118 : memref<1x512x256xf32, #tpu.memory_space<vmem>> -> memref<512x256xf32, #tpu.memory_space<vmem>>
      %dma_wait3A_120 = arith.constant 0 : i32
      %dma_wait3A_121 = tpu.memref_slice %arg2[%while3A_47, %dma_wait3A_120, %mul3A_114] : memref<16x512x4096xf32, #tpu.memory_space<hbm>> -> memref<1x512x256xf32, #tpu.memory_space<hbm>>
      %dma_wait3A_122 = tpu.memref_squeeze %dma_wait3A_121 : memref<1x512x256xf32, #tpu.memory_space<hbm>> -> memref<512x256xf32, #tpu.memory_space<hbm>>
      tpu.wait_dma2 semaphore(%dma_wait3A_115 : memref<!tpu.dma_semaphore, #tpu.memory_space<semaphore_mem>>) src(%dma_wait3A_122 : memref<512x256xf32, #tpu.memory_space<hbm>>) dst(%dma_wait3A_119 : memref<512x256xf32, #tpu.memory_space<vmem>>)
      %jit3A_123 = arith.constant 16 : i32
      %eq3A_124 = arith.constant 0 : i32
      %eq3A_125 = arith.cmpi eq, %jit3A_123, %eq3A_124 : i32
      %jit3A_126 = arith.constant 1 : i32
      %select_n3A_127 = arith.select %eq3A_125, %jit3A_126, %jit3A_123 : i32
      %rem3A_128 = arith.remsi %while3A_46, %select_n3A_127 : i32
      %ne3A_129 = arith.constant 0 : i32
      %ne3A_130 = arith.cmpi ne, %rem3A_128, %ne3A_129 : i32
      %lt3A_131 = arith.constant 0 : i32
      %lt3A_132 = arith.cmpi slt, %rem3A_128, %lt3A_131 : i32
      %lt3A_133 = arith.constant 0 : i32
      %lt3A_134 = arith.cmpi slt, %select_n3A_127, %lt3A_133 : i32
      %ne3A_135 = arith.xori %lt3A_132, %lt3A_134 : i1
      %and3A_136 = arith.andi %ne3A_135, %ne3A_130 : i1
      %add3A_137 = arith.addi %rem3A_128, %select_n3A_127 : i32
      %select_n3A_138 = arith.select %and3A_136, %add3A_137, %rem3A_128 : i32
      %sub3A_139 = arith.constant 1 : i32
      %sub3A_140 = arith.subi %while3A_49, %sub3A_139 : i32
      %lt3A_141 = arith.cmpi slt, %while3A_48, %sub3A_140 : i32
      %convert_element_type3A_142 = arith.extui %lt3A_141 : i1 to i32
      %cond3A_143 = arith.constant 0 : i32
      %cond3A_144 = arith.cmpi ne, %convert_element_type3A_142, %cond3A_143 : i32
      scf.if %cond3A_144 {
        %get3A_192 = arith.index_cast %select_n3A_138 : i32 to index
        %get3A_193 = arith.constant 0 : index
        %get3A_194 = arith.constant 0 : index
        %get3A_195 = vector.load %arg4[%get3A_192, %get3A_193, %get3A_194] : memref<16x512x256xf32, #tpu.memory_space<vmem>>, vector<1x512x128xf32>
        %get3A_196 = vector.shape_cast %get3A_195 : vector<1x512x128xf32> to vector<512x128xf32>
        %get3A_197 = arith.index_cast %select_n3A_138 : i32 to index
        %get3A_198 = arith.constant 0 : index
        %get3A_199 = arith.constant 128 : index
        %get3A_200 = vector.load %arg4[%get3A_197, %get3A_198, %get3A_199] : memref<16x512x256xf32, #tpu.memory_space<vmem>>, vector<1x512x128xf32>
        %get3A_201 = vector.shape_cast %get3A_200 : vector<1x512x128xf32> to vector<512x128xf32>
        %min3A_202 = arith.minimumf %get3A_196, %get3A_201 : vector<512x128xf32>
        %eq3A_203 = arith.constant 0 : i32
        %eq3A_204 = arith.cmpi eq, %while3A_48, %eq3A_203 : i32
        %convert_element_type3A_205 = arith.extui %eq3A_204 : i1 to i32
        %cond3A_206 = arith.constant 0 : i32
        %cond3A_207 = arith.cmpi ne, %convert_element_type3A_205, %cond3A_206 : i32
        scf.if %cond3A_207 {
          %swap3A = arith.constant 0 : index
          %swap3A_212 = arith.constant 0 : index
          %swap3A_213 = vector.load %arg5[%swap3A, %swap3A_212] : memref<512x128xf32, #tpu.memory_space<vmem>>, vector<512x128xf32>
          tpu.vector_store %arg5[%swap3A, %swap3A_212], %min3A_202 {strides = array<i32>} : memref<512x128xf32, #tpu.memory_space<vmem>>, vector<512x128xf32>,
        } else {
        }
        %gt3A = arith.constant 0 : i32
        %gt3A_208 = arith.cmpi sgt, %while3A_48, %gt3A : i32
        %convert_element_type3A_209 = arith.extui %gt3A_208 : i1 to i32
        %cond3A_210 = arith.constant 0 : i32
        %cond3A_211 = arith.cmpi ne, %convert_element_type3A_209, %cond3A_210 : i32
        scf.if %cond3A_211 {
          %get3A_212 = arith.constant 0 : index
          %get3A_213 = arith.constant 0 : index
          %get3A_214 = vector.load %arg5[%get3A_212, %get3A_213] : memref<512x128xf32, #tpu.memory_space<vmem>>, vector<512x128xf32>
          %min3A_215 = arith.minimumf %get3A_214, %min3A_202 : vector<512x128xf32>
          %swap3A = arith.constant 0 : index
          %swap3A_216 = arith.constant 0 : index
          %swap3A_217 = vector.load %arg5[%swap3A, %swap3A_216] : memref<512x128xf32, #tpu.memory_space<vmem>>, vector<512x128xf32>
          tpu.vector_store %arg5[%swap3A, %swap3A_216], %min3A_215 {strides = array<i32>} : memref<512x128xf32, #tpu.memory_space<vmem>>, vector<512x128xf32>,
        } else {
        }
      } else {
      }
      %sub3A_145 = arith.constant 1 : i32
      %sub3A_146 = arith.subi %while3A_49, %sub3A_145 : i32
      %eq3A_147 = arith.cmpi eq, %while3A_48, %sub3A_146 : i32
      %convert_element_type3A_148 = arith.extui %eq3A_147 : i1 to i32
      %cond3A_149 = arith.constant 0 : i32
      %cond3A_150 = arith.cmpi ne, %convert_element_type3A_148, %cond3A_149 : i32
      scf.if %cond3A_150 {
        %iota3A = tpu.iota {dimensions = array<i32: 1>} : vector<512x128xi32>
        %mul3A_192 = arith.constant 256 : i32
        %mul3A_193 = arith.muli %while3A_48, %mul3A_192 : i32
        %broadcast_in_dim3A = arith.constant 0x7F800000 : f32
        %broadcast_in_dim3A_194 = vector.broadcast %broadcast_in_dim3A : f32 to vector<512x128xf32>
        %get3A_195 = arith.index_cast %select_n3A_138 : i32 to index
        %get3A_196 = arith.constant 0 : index
        %get3A_197 = arith.constant 0 : index
        %get3A_198 = vector.load %arg4[%get3A_195, %get3A_196, %get3A_197] : memref<16x512x256xf32, #tpu.memory_space<vmem>>, vector<1x512x128xf32>
        %get3A_199 = vector.shape_cast %get3A_198 : vector<1x512x128xf32> to vector<512x128xf32>
        %add3A_200 = arith.constant 0 : i32
        %add3A_201 = arith.addi %mul3A_193, %add3A_200 : i32
        %add3A_202 = vector.broadcast %add3A_201 : i32 to vector<512x128xi32>
        %add3A_203 = arith.addi %add3A_202, %iota3A : vector<512x128xi32>
        %lt3A_204 = vector.broadcast %while3A_50 : i32 to vector<512x128xi32>
        %lt3A_205 = arith.cmpi slt, %add3A_203, %lt3A_204 : vector<512x128xi32>
        %jit3A_206 = arith.constant 0x7F800000 : f32
        %broadcast_in_dim3A_207 = vector.broadcast %jit3A_206 : f32 to vector<512x128xf32>
        %select_n3A_208 = arith.select %lt3A_205, %get3A_199, %broadcast_in_dim3A_207 : vector<512x128xi1>, vector<512x128xf32>
        %min3A_209 = arith.minimumf %broadcast_in_dim3A_194, %select_n3A_208 : vector<512x128xf32>
        %get3A_210 = arith.index_cast %select_n3A_138 : i32 to index
        %get3A_211 = arith.constant 0 : index
        %get3A_212 = arith.constant 128 : index
        %get3A_213 = vector.load %arg4[%get3A_210, %get3A_211, %get3A_212] : memref<16x512x256xf32, #tpu.memory_space<vmem>>, vector<1x512x128xf32>
        %get3A_214 = vector.shape_cast %get3A_213 : vector<1x512x128xf32> to vector<512x128xf32>
        %add3A_215 = arith.constant 128 : i32
        %add3A_216 = arith.addi %mul3A_193, %add3A_215 : i32
        %add3A_217 = vector.broadcast %add3A_216 : i32 to vector<512x128xi32>
        %add3A_218 = arith.addi %add3A_217, %iota3A : vector<512x128xi32>
        %lt3A_219 = vector.broadcast %while3A_50 : i32 to vector<512x128xi32>
        %lt3A_220 = arith.cmpi slt, %add3A_218, %lt3A_219 : vector<512x128xi32>
        %jit3A_221 = arith.constant 0x7F800000 : f32
        %broadcast_in_dim3A_222 = vector.broadcast %jit3A_221 : f32 to vector<512x128xf32>
        %select_n3A_223 = arith.select %lt3A_220, %get3A_214, %broadcast_in_dim3A_222 : vector<512x128xi1>, vector<512x128xf32>
        %min3A_224 = arith.minimumf %min3A_209, %select_n3A_223 : vector<512x128xf32>
        %gt3A = arith.constant 0 : i32
        %gt3A_225 = arith.cmpi sgt, %while3A_48, %gt3A : i32
        %convert_element_type3A_226 = arith.extui %gt3A_225 : i1 to i32
        %cond3A_227 = arith.constant 0 : i32
        %cond3A_228 = arith.cmpi ne, %convert_element_type3A_226, %cond3A_227 : i32
        scf.if %cond3A_228 {
          %get3A_243 = arith.constant 0 : index
          %get3A_244 = arith.constant 0 : index
          %get3A_245 = vector.load %arg5[%get3A_243, %get3A_244] : memref<512x128xf32, #tpu.memory_space<vmem>>, vector<512x128xf32>
          %min3A_246 = arith.minimumf %get3A_245, %min3A_224 : vector<512x128xf32>
          %swap3A_247 = arith.constant 0 : index
          %swap3A_248 = arith.constant 0 : index
          %swap3A_249 = vector.load %arg5[%swap3A_247, %swap3A_248] : memref<512x128xf32, #tpu.memory_space<vmem>>, vector<512x128xf32>
          tpu.vector_store %arg5[%swap3A_247, %swap3A_248], %min3A_246 {strides = array<i32>} : memref<512x128xf32, #tpu.memory_space<vmem>>, vector<512x128xf32>,
        } else {
        }
        %eq3A_229 = arith.constant 0 : i32
        %eq3A_230 = arith.cmpi eq, %while3A_48, %eq3A_229 : i32
        %convert_element_type3A_231 = arith.extui %eq3A_230 : i1 to i32
        %cond3A_232 = arith.constant 0 : i32
        %cond3A_233 = arith.cmpi ne, %convert_element_type3A_231, %cond3A_232 : i32
        scf.if %cond3A_233 {
          %swap3A_243 = arith.constant 0 : index
          %swap3A_244 = arith.constant 0 : index
          %swap3A_245 = vector.load %arg5[%swap3A_243, %swap3A_244] : memref<512x128xf32, #tpu.memory_space<vmem>>, vector<512x128xf32>
          tpu.vector_store %arg5[%swap3A_243, %swap3A_244], %min3A_224 {strides = array<i32>} : memref<512x128xf32, #tpu.memory_space<vmem>>, vector<512x128xf32>,
        } else {
        }
        %get3A_234 = arith.constant 0 : index
        %get3A_235 = arith.constant 0 : index
        %get3A_236 = vector.load %arg5[%get3A_234, %get3A_235] : memref<512x128xf32, #tpu.memory_space<vmem>>, vector<512x128xf32>
        %reduce_min3A = arith.constant dense<0x7F800000> : vector<512xf32>
        %reduce_min3A_237 = vector.multi_reduction <minimumf>, %get3A_236, %reduce_min3A [1] : vector<512x128xf32> to vector<512xf32>
        %swap3A = arith.index_cast %while3A_47 : i32 to index
        %swap3A_238 = arith.constant 0 : index
        %swap3A_239 = arith.constant 0 : index
        %swap3A_240 = vector.load %arg3[%swap3A, %swap3A_238, %swap3A_239] : memref<10x1x512xf32, #tpu.memory_space<vmem>>, vector<1x1x512xf32>
        %swap3A_241 = vector.shape_cast %swap3A_240 : vector<1x1x512xf32> to vector<512xf32>
        %swap3A_242 = vector.shape_cast %reduce_min3A_237 : vector<512xf32> to vector<1x1x512xf32>
        tpu.vector_store %arg3[%swap3A, %swap3A_238, %swap3A_239], %swap3A_242 {strides = array<i32>} : memref<10x1x512xf32, #tpu.memory_space<vmem>>, vector<1x1x512xf32>,
      } else {
      }
      %add3A_151 = arith.constant 1 : i32
      %add3A_152 = arith.addi %while3A_48, %add3A_151 : i32
      %eq3A_153 = arith.cmpi eq, %add3A_152, %while3A_49 : i32
      %convert_element_type3A_154 = arith.extui %eq3A_153 : i1 to i32
      %add3A_155 = arith.addi %while3A_47, %convert_element_type3A_154 : i32
      %min3A_156 = arith.constant 9 : i32
      %min3A_157 = arith.minsi %add3A_155, %min3A_156 : i32
      %jit3A_158 = arith.constant 0 : i32
      %select_n3A_159 = arith.select %eq3A_153, %jit3A_158, %add3A_152 : i32
      %min3A_160 = arith.constant 9 : i32
      %min3A_161 = arith.minsi %min3A_157, %min3A_160 : i32
      %get3A_162 = arith.index_cast %min3A_161 : i32 to index
      %get3A_163 = memref.load %arg1[%get3A_162] : memref<16xi32, #tpu.memory_space<smem>>
      %add3A_164 = arith.constant 255 : i32
      %add3A_165 = arith.addi %get3A_163, %add3A_164 : i32
      %jit3A_166 = arith.constant 256 : i32
      %div3A_167 = arith.divsi %add3A_165, %jit3A_166 : i32
      %sign3A_168 = arith.constant 0 : i32
      %sign3A_169 = arith.cmpi sgt, %add3A_165, %sign3A_168 : i32
      %sign3A_170 = arith.extui %sign3A_169 : i1 to i32
      %sign3A_171 = arith.constant 0 : i32
      %sign3A_172 = arith.cmpi slt, %add3A_165, %sign3A_171 : i32
      %sign3A_173 = arith.extui %sign3A_172 : i1 to i32
      %sign3A_174 = arith.subi %sign3A_170, %sign3A_173 : i32
      %sign3A_175 = arith.constant 0 : i32
      %sign3A_176 = arith.cmpi sgt, %jit3A_166, %sign3A_175 : i32
      %sign3A_177 = arith.extui %sign3A_176 : i1 to i32
      %sign3A_178 = arith.constant 0 : i32
      %sign3A_179 = arith.cmpi slt, %jit3A_166, %sign3A_178 : i32
      %sign3A_180 = arith.extui %sign3A_179 : i1 to i32
      %sign3A_181 = arith.subi %sign3A_177, %sign3A_180 : i32
      %ne3A_182 = arith.cmpi ne, %sign3A_174, %sign3A_181 : i32
      %rem3A_183 = arith.remsi %add3A_165, %jit3A_166 : i32
      %ne3A_184 = arith.constant 0 : i32
      %ne3A_185 = arith.cmpi ne, %rem3A_183, %ne3A_184 : i32
      %and3A_186 = arith.andi %ne3A_182, %ne3A_185 : i1
      %sub3A_187 = arith.constant 1 : i32
      %sub3A_188 = arith.subi %div3A_167, %sub3A_187 : i32
      %select_n3A_189 = arith.select %and3A_186, %sub3A_188, %div3A_167 : i32
      %select_n3A_190 = arith.select %eq3A_153, %select_n3A_189, %while3A_49 : i32
      %select_n3A_191 = arith.select %eq3A_153, %get3A_163, %while3A_50 : i32
      scf.yield %min3A_157, %select_n3A_159, %select_n3A_190, %select_n3A_191, %min3A_63, %select_n3A_65, %select_n3A_96, %select_n3A_97 : i32, i32, i32, i32, i32, i32, i32, i32
    }
    %while3A_44 = arith.constant 1 : i32
    %while3A_45:8 = scf.for %while3A_46 = %while3A_41 to %while3A_37 step %while3A_44 iter_args(%while3A_47 = %while3A_43#0, %while3A_48 = %while3A_43#1, %while3A_49 = %while3A_43#2, %while3A_50 = %while3A_43#3, %while3A_51 = %while3A_43#4, %while3A_52 = %while3A_43#5, %while3A_53 = %while3A_43#6, %while3A_54 = %while3A_43#7) -> (i32, i32, i32, i32, i32, i32, i32, i32)  : i32 {
      %add3A_55 = arith.constant 15 : i32
      %add3A_56 = arith.addi %while3A_46, %add3A_55 : i32
      %lt3A = arith.cmpi slt, %add3A_56, %scan3A_4 : i32
      %convert_element_type3A = arith.extui %lt3A : i1 to i32
      %cond3A = arith.constant 0 : i32
      %cond3A_57 = arith.cmpi ne, %convert_element_type3A, %cond3A : i32
      scf.if %cond3A_57 {
        %add3A_192 = arith.constant 15 : i32
        %add3A_193 = arith.addi %while3A_46, %add3A_192 : i32
        %jit3A_194 = arith.constant 16 : i32
        %eq3A_195 = arith.constant 0 : i32
        %eq3A_196 = arith.cmpi eq, %jit3A_194, %eq3A_195 : i32
        %jit3A_197 = arith.constant 1 : i32
        %select_n3A_198 = arith.select %eq3A_196, %jit3A_197, %jit3A_194 : i32
        %rem3A_199 = arith.remsi %add3A_193, %select_n3A_198 : i32
        %ne3A_200 = arith.constant 0 : i32
        %ne3A_201 = arith.cmpi ne, %rem3A_199, %ne3A_200 : i32
        %lt3A_202 = arith.constant 0 : i32
        %lt3A_203 = arith.cmpi slt, %rem3A_199, %lt3A_202 : i32
        %lt3A_204 = arith.constant 0 : i32
        %lt3A_205 = arith.cmpi slt, %select_n3A_198, %lt3A_204 : i32
        %ne3A_206 = arith.xori %lt3A_203, %lt3A_205 : i1
        %and3A_207 = arith.andi %ne3A_206, %ne3A_201 : i1
        %add3A_208 = arith.addi %rem3A_199, %select_n3A_198 : i32
        %select_n3A_209 = arith.select %and3A_207, %add3A_208, %rem3A_199 : i32
        %mul3A_210 = arith.constant 256 : i32
        %mul3A_211 = arith.muli %while3A_52, %mul3A_210 : i32
        %dma_start3A = tpu.memref_slice %arg6[%select_n3A_209] : memref<16x!tpu.dma_semaphore, #tpu.memory_space<semaphore_mem>> -> memref<1x!tpu.dma_semaphore, #tpu.memory_space<semaphore_mem>>
        %dma_start3A_212 = tpu.memref_squeeze %dma_start3A : memref<1x!tpu.dma_semaphore, #tpu.memory_space<semaphore_mem>> -> memref<!tpu.dma_semaphore, #tpu.memory_space<semaphore_mem>>
        %dma_start3A_213 = arith.constant 0 : i32
        %dma_start3A_214 = arith.constant 0 : i32
        %dma_start3A_215 = tpu.memref_slice %arg4[%select_n3A_209, %dma_start3A_213, %dma_start3A_214] : memref<16x512x256xf32, #tpu.memory_space<vmem>> -> memref<1x512x256xf32, #tpu.memory_space<vmem>>
        %dma_start3A_216 = tpu.memref_squeeze %dma_start3A_215 : memref<1x512x256xf32, #tpu.memory_space<vmem>> -> memref<512x256xf32, #tpu.memory_space<vmem>>
        %dma_start3A_217 = arith.constant 0 : i32
        %dma_start3A_218 = tpu.memref_slice %arg2[%while3A_51, %dma_start3A_217, %mul3A_211] : memref<16x512x4096xf32, #tpu.memory_space<hbm>> -> memref<1x512x256xf32, #tpu.memory_space<hbm>>
        %dma_start3A_219 = tpu.memref_squeeze %dma_start3A_218 : memref<1x512x256xf32, #tpu.memory_space<hbm>> -> memref<512x256xf32, #tpu.memory_space<hbm>>
        tpu.enqueue_dma source(%dma_start3A_219 : memref<512x256xf32, #tpu.memory_space<hbm>>) target(%dma_start3A_216 : memref<512x256xf32, #tpu.memory_space<vmem>>) target_semaphore(%dma_start3A_212 : memref<!tpu.dma_semaphore, #tpu.memory_space<semaphore_mem>>)
      } else {
      }
      %add3A_58 = arith.constant 1 : i32
      %add3A_59 = arith.addi %while3A_52, %add3A_58 : i32
      %eq3A = arith.cmpi eq, %add3A_59, %while3A_53 : i32
      %convert_element_type3A_60 = arith.extui %eq3A : i1 to i32
      %add3A_61 = arith.addi %while3A_51, %convert_element_type3A_60 : i32
      %min3A_62 = arith.constant 9 : i32
      %min3A_63 = arith.minsi %add3A_61, %min3A_62 : i32
      %jit3A_64 = arith.constant 0 : i32
      %select_n3A_65 = arith.select %eq3A, %jit3A_64, %add3A_59 : i32
      %min3A_66 = arith.constant 9 : i32
      %min3A_67 = arith.minsi %min3A_63, %min3A_66 : i32
      %get3A_68 = arith.index_cast %min3A_67 : i32 to index
      %get3A_69 = memref.load %arg1[%get3A_68] : memref<16xi32, #tpu.memory_space<smem>>
      %add3A_70 = arith.constant 255 : i32
      %add3A_71 = arith.addi %get3A_69, %add3A_70 : i32
      %jit3A_72 = arith.constant 256 : i32
      %div3A_73 = arith.divsi %add3A_71, %jit3A_72 : i32
      %sign3A_74 = arith.constant 0 : i32
      %sign3A_75 = arith.cmpi sgt, %add3A_71, %sign3A_74 : i32
      %sign3A_76 = arith.extui %sign3A_75 : i1 to i32
      %sign3A_77 = arith.constant 0 : i32
      %sign3A_78 = arith.cmpi slt, %add3A_71, %sign3A_77 : i32
      %sign3A_79 = arith.extui %sign3A_78 : i1 to i32
      %sign3A_80 = arith.subi %sign3A_76, %sign3A_79 : i32
      %sign3A_81 = arith.constant 0 : i32
      %sign3A_82 = arith.cmpi sgt, %jit3A_72, %sign3A_81 : i32
      %sign3A_83 = arith.extui %sign3A_82 : i1 to i32
      %sign3A_84 = arith.constant 0 : i32
      %sign3A_85 = arith.cmpi slt, %jit3A_72, %sign3A_84 : i32
      %sign3A_86 = arith.extui %sign3A_85 : i1 to i32
      %sign3A_87 = arith.subi %sign3A_83, %sign3A_86 : i32
      %ne3A_88 = arith.cmpi ne, %sign3A_80, %sign3A_87 : i32
      %rem3A_89 = arith.remsi %add3A_71, %jit3A_72 : i32
      %ne3A_90 = arith.constant 0 : i32
      %ne3A_91 = arith.cmpi ne, %rem3A_89, %ne3A_90 : i32
      %and3A_92 = arith.andi %ne3A_88, %ne3A_91 : i1
      %sub3A_93 = arith.constant 1 : i32
      %sub3A_94 = arith.subi %div3A_73, %sub3A_93 : i32
      %select_n3A_95 = arith.select %and3A_92, %sub3A_94, %div3A_73 : i32
      %select_n3A_96 = arith.select %eq3A, %select_n3A_95, %while3A_53 : i32
      %select_n3A_97 = arith.select %eq3A, %get3A_69, %while3A_54 : i32
      %jit3A_98 = arith.constant 16 : i32
      %eq3A_99 = arith.constant 0 : i32
      %eq3A_100 = arith.cmpi eq, %jit3A_98, %eq3A_99 : i32
      %jit3A_101 = arith.constant 1 : i32
      %select_n3A_102 = arith.select %eq3A_100, %jit3A_101, %jit3A_98 : i32
      %rem3A_103 = arith.remsi %while3A_46, %select_n3A_102 : i32
      %ne3A_104 = arith.constant 0 : i32
      %ne3A_105 = arith.cmpi ne, %rem3A_103, %ne3A_104 : i32
      %lt3A_106 = arith.constant 0 : i32
      %lt3A_107 = arith.cmpi slt, %rem3A_103, %lt3A_106 : i32
      %lt3A_108 = arith.constant 0 : i32
      %lt3A_109 = arith.cmpi slt, %select_n3A_102, %lt3A_108 : i32
      %ne3A_110 = arith.xori %lt3A_107, %lt3A_109 : i1
      %and3A_111 = arith.andi %ne3A_110, %ne3A_105 : i1
      %add3A_112 = arith.addi %rem3A_103, %select_n3A_102 : i32
      %select_n3A_113 = arith.select %and3A_111, %add3A_112, %rem3A_103 : i32
      %mul3A = arith.constant 256 : i32
      %mul3A_114 = arith.muli %while3A_48, %mul3A : i32
      %dma_wait3A = tpu.memref_slice %arg6[%select_n3A_113] : memref<16x!tpu.dma_semaphore, #tpu.memory_space<semaphore_mem>> -> memref<1x!tpu.dma_semaphore, #tpu.memory_space<semaphore_mem>>
      %dma_wait3A_115 = tpu.memref_squeeze %dma_wait3A : memref<1x!tpu.dma_semaphore, #tpu.memory_space<semaphore_mem>> -> memref<!tpu.dma_semaphore, #tpu.memory_space<semaphore_mem>>
      %dma_wait3A_116 = arith.constant 0 : i32
      %dma_wait3A_117 = arith.constant 0 : i32
      %dma_wait3A_118 = tpu.memref_slice %arg4[%select_n3A_113, %dma_wait3A_116, %dma_wait3A_117] : memref<16x512x256xf32, #tpu.memory_space<vmem>> -> memref<1x512x256xf32, #tpu.memory_space<vmem>>
      %dma_wait3A_119 = tpu.memref_squeeze %dma_wait3A_118 : memref<1x512x256xf32, #tpu.memory_space<vmem>> -> memref<512x256xf32, #tpu.memory_space<vmem>>
      %dma_wait3A_120 = arith.constant 0 : i32
      %dma_wait3A_121 = tpu.memref_slice %arg2[%while3A_47, %dma_wait3A_120, %mul3A_114] : memref<16x512x4096xf32, #tpu.memory_space<hbm>> -> memref<1x512x256xf32, #tpu.memory_space<hbm>>
      %dma_wait3A_122 = tpu.memref_squeeze %dma_wait3A_121 : memref<1x512x256xf32, #tpu.memory_space<hbm>> -> memref<512x256xf32, #tpu.memory_space<hbm>>
      tpu.wait_dma2 semaphore(%dma_wait3A_115 : memref<!tpu.dma_semaphore, #tpu.memory_space<semaphore_mem>>) src(%dma_wait3A_122 : memref<512x256xf32, #tpu.memory_space<hbm>>) dst(%dma_wait3A_119 : memref<512x256xf32, #tpu.memory_space<vmem>>)
      %jit3A_123 = arith.constant 16 : i32
      %eq3A_124 = arith.constant 0 : i32
      %eq3A_125 = arith.cmpi eq, %jit3A_123, %eq3A_124 : i32
      %jit3A_126 = arith.constant 1 : i32
      %select_n3A_127 = arith.select %eq3A_125, %jit3A_126, %jit3A_123 : i32
      %rem3A_128 = arith.remsi %while3A_46, %select_n3A_127 : i32
      %ne3A_129 = arith.constant 0 : i32
      %ne3A_130 = arith.cmpi ne, %rem3A_128, %ne3A_129 : i32
      %lt3A_131 = arith.constant 0 : i32
      %lt3A_132 = arith.cmpi slt, %rem3A_128, %lt3A_131 : i32
      %lt3A_133 = arith.constant 0 : i32
      %lt3A_134 = arith.cmpi slt, %select_n3A_127, %lt3A_133 : i32
      %ne3A_135 = arith.xori %lt3A_132, %lt3A_134 : i1
      %and3A_136 = arith.andi %ne3A_135, %ne3A_130 : i1
      %add3A_137 = arith.addi %rem3A_128, %select_n3A_127 : i32
      %select_n3A_138 = arith.select %and3A_136, %add3A_137, %rem3A_128 : i32
      %sub3A_139 = arith.constant 1 : i32
      %sub3A_140 = arith.subi %while3A_49, %sub3A_139 : i32
      %lt3A_141 = arith.cmpi slt, %while3A_48, %sub3A_140 : i32
      %convert_element_type3A_142 = arith.extui %lt3A_141 : i1 to i32
      %cond3A_143 = arith.constant 0 : i32
      %cond3A_144 = arith.cmpi ne, %convert_element_type3A_142, %cond3A_143 : i32
      scf.if %cond3A_144 {
        %get3A_192 = arith.index_cast %select_n3A_138 : i32 to index
        %get3A_193 = arith.constant 0 : index
        %get3A_194 = arith.constant 0 : index
        %get3A_195 = vector.load %arg4[%get3A_192, %get3A_193, %get3A_194] : memref<16x512x256xf32, #tpu.memory_space<vmem>>, vector<1x512x128xf32>
        %get3A_196 = vector.shape_cast %get3A_195 : vector<1x512x128xf32> to vector<512x128xf32>
        %get3A_197 = arith.index_cast %select_n3A_138 : i32 to index
        %get3A_198 = arith.constant 0 : index
        %get3A_199 = arith.constant 128 : index
        %get3A_200 = vector.load %arg4[%get3A_197, %get3A_198, %get3A_199] : memref<16x512x256xf32, #tpu.memory_space<vmem>>, vector<1x512x128xf32>
        %get3A_201 = vector.shape_cast %get3A_200 : vector<1x512x128xf32> to vector<512x128xf32>
        %min3A_202 = arith.minimumf %get3A_196, %get3A_201 : vector<512x128xf32>
        %eq3A_203 = arith.constant 0 : i32
        %eq3A_204 = arith.cmpi eq, %while3A_48, %eq3A_203 : i32
        %convert_element_type3A_205 = arith.extui %eq3A_204 : i1 to i32
        %cond3A_206 = arith.constant 0 : i32
        %cond3A_207 = arith.cmpi ne, %convert_element_type3A_205, %cond3A_206 : i32
        scf.if %cond3A_207 {
          %swap3A = arith.constant 0 : index
          %swap3A_212 = arith.constant 0 : index
          %swap3A_213 = vector.load %arg5[%swap3A, %swap3A_212] : memref<512x128xf32, #tpu.memory_space<vmem>>, vector<512x128xf32>
          tpu.vector_store %arg5[%swap3A, %swap3A_212], %min3A_202 {strides = array<i32>} : memref<512x128xf32, #tpu.memory_space<vmem>>, vector<512x128xf32>,
        } else {
        }
        %gt3A = arith.constant 0 : i32
        %gt3A_208 = arith.cmpi sgt, %while3A_48, %gt3A : i32
        %convert_element_type3A_209 = arith.extui %gt3A_208 : i1 to i32
        %cond3A_210 = arith.constant 0 : i32
        %cond3A_211 = arith.cmpi ne, %convert_element_type3A_209, %cond3A_210 : i32
        scf.if %cond3A_211 {
          %get3A_212 = arith.constant 0 : index
          %get3A_213 = arith.constant 0 : index
          %get3A_214 = vector.load %arg5[%get3A_212, %get3A_213] : memref<512x128xf32, #tpu.memory_space<vmem>>, vector<512x128xf32>
          %min3A_215 = arith.minimumf %get3A_214, %min3A_202 : vector<512x128xf32>
          %swap3A = arith.constant 0 : index
          %swap3A_216 = arith.constant 0 : index
          %swap3A_217 = vector.load %arg5[%swap3A, %swap3A_216] : memref<512x128xf32, #tpu.memory_space<vmem>>, vector<512x128xf32>
          tpu.vector_store %arg5[%swap3A, %swap3A_216], %min3A_215 {strides = array<i32>} : memref<512x128xf32, #tpu.memory_space<vmem>>, vector<512x128xf32>,
        } else {
        }
      } else {
      }
      %sub3A_145 = arith.constant 1 : i32
      %sub3A_146 = arith.subi %while3A_49, %sub3A_145 : i32
      %eq3A_147 = arith.cmpi eq, %while3A_48, %sub3A_146 : i32
      %convert_element_type3A_148 = arith.extui %eq3A_147 : i1 to i32
      %cond3A_149 = arith.constant 0 : i32
      %cond3A_150 = arith.cmpi ne, %convert_element_type3A_148, %cond3A_149 : i32
      scf.if %cond3A_150 {
        %iota3A = tpu.iota {dimensions = array<i32: 1>} : vector<512x128xi32>
        %mul3A_192 = arith.constant 256 : i32
        %mul3A_193 = arith.muli %while3A_48, %mul3A_192 : i32
        %broadcast_in_dim3A = arith.constant 0x7F800000 : f32
        %broadcast_in_dim3A_194 = vector.broadcast %broadcast_in_dim3A : f32 to vector<512x128xf32>
        %get3A_195 = arith.index_cast %select_n3A_138 : i32 to index
        %get3A_196 = arith.constant 0 : index
        %get3A_197 = arith.constant 0 : index
        %get3A_198 = vector.load %arg4[%get3A_195, %get3A_196, %get3A_197] : memref<16x512x256xf32, #tpu.memory_space<vmem>>, vector<1x512x128xf32>
        %get3A_199 = vector.shape_cast %get3A_198 : vector<1x512x128xf32> to vector<512x128xf32>
        %add3A_200 = arith.constant 0 : i32
        %add3A_201 = arith.addi %mul3A_193, %add3A_200 : i32
        %add3A_202 = vector.broadcast %add3A_201 : i32 to vector<512x128xi32>
        %add3A_203 = arith.addi %add3A_202, %iota3A : vector<512x128xi32>
        %lt3A_204 = vector.broadcast %while3A_50 : i32 to vector<512x128xi32>
        %lt3A_205 = arith.cmpi slt, %add3A_203, %lt3A_204 : vector<512x128xi32>
        %jit3A_206 = arith.constant 0x7F800000 : f32
        %broadcast_in_dim3A_207 = vector.broadcast %jit3A_206 : f32 to vector<512x128xf32>
        %select_n3A_208 = arith.select %lt3A_205, %get3A_199, %broadcast_in_dim3A_207 : vector<512x128xi1>, vector<512x128xf32>
        %min3A_209 = arith.minimumf %broadcast_in_dim3A_194, %select_n3A_208 : vector<512x128xf32>
        %get3A_210 = arith.index_cast %select_n3A_138 : i32 to index
        %get3A_211 = arith.constant 0 : index
        %get3A_212 = arith.constant 128 : index
        %get3A_213 = vector.load %arg4[%get3A_210, %get3A_211, %get3A_212] : memref<16x512x256xf32, #tpu.memory_space<vmem>>, vector<1x512x128xf32>
        %get3A_214 = vector.shape_cast %get3A_213 : vector<1x512x128xf32> to vector<512x128xf32>
        %add3A_215 = arith.constant 128 : i32
        %add3A_216 = arith.addi %mul3A_193, %add3A_215 : i32
        %add3A_217 = vector.broadcast %add3A_216 : i32 to vector<512x128xi32>
        %add3A_218 = arith.addi %add3A_217, %iota3A : vector<512x128xi32>
        %lt3A_219 = vector.broadcast %while3A_50 : i32 to vector<512x128xi32>
        %lt3A_220 = arith.cmpi slt, %add3A_218, %lt3A_219 : vector<512x128xi32>
        %jit3A_221 = arith.constant 0x7F800000 : f32
        %broadcast_in_dim3A_222 = vector.broadcast %jit3A_221 : f32 to vector<512x128xf32>
        %select_n3A_223 = arith.select %lt3A_220, %get3A_214, %broadcast_in_dim3A_222 : vector<512x128xi1>, vector<512x128xf32>
        %min3A_224 = arith.minimumf %min3A_209, %select_n3A_223 : vector<512x128xf32>
        %gt3A = arith.constant 0 : i32
        %gt3A_225 = arith.cmpi sgt, %while3A_48, %gt3A : i32
        %convert_element_type3A_226 = arith.extui %gt3A_225 : i1 to i32
        %cond3A_227 = arith.constant 0 : i32
        %cond3A_228 = arith.cmpi ne, %convert_element_type3A_226, %cond3A_227 : i32
        scf.if %cond3A_228 {
          %get3A_243 = arith.constant 0 : index
          %get3A_244 = arith.constant 0 : index
          %get3A_245 = vector.load %arg5[%get3A_243, %get3A_244] : memref<512x128xf32, #tpu.memory_space<vmem>>, vector<512x128xf32>
          %min3A_246 = arith.minimumf %get3A_245, %min3A_224 : vector<512x128xf32>
          %swap3A_247 = arith.constant 0 : index
          %swap3A_248 = arith.constant 0 : index
          %swap3A_249 = vector.load %arg5[%swap3A_247, %swap3A_248] : memref<512x128xf32, #tpu.memory_space<vmem>>, vector<512x128xf32>
          tpu.vector_store %arg5[%swap3A_247, %swap3A_248], %min3A_246 {strides = array<i32>} : memref<512x128xf32, #tpu.memory_space<vmem>>, vector<512x128xf32>,
        } else {
        }
        %eq3A_229 = arith.constant 0 : i32
        %eq3A_230 = arith.cmpi eq, %while3A_48, %eq3A_229 : i32
        %convert_element_type3A_231 = arith.extui %eq3A_230 : i1 to i32
        %cond3A_232 = arith.constant 0 : i32
        %cond3A_233 = arith.cmpi ne, %convert_element_type3A_231, %cond3A_232 : i32
        scf.if %cond3A_233 {
          %swap3A_243 = arith.constant 0 : index
          %swap3A_244 = arith.constant 0 : index
          %swap3A_245 = vector.load %arg5[%swap3A_243, %swap3A_244] : memref<512x128xf32, #tpu.memory_space<vmem>>, vector<512x128xf32>
          tpu.vector_store %arg5[%swap3A_243, %swap3A_244], %min3A_224 {strides = array<i32>} : memref<512x128xf32, #tpu.memory_space<vmem>>, vector<512x128xf32>,
        } else {
        }
        %get3A_234 = arith.constant 0 : index
        %get3A_235 = arith.constant 0 : index
        %get3A_236 = vector.load %arg5[%get3A_234, %get3A_235] : memref<512x128xf32, #tpu.memory_space<vmem>>, vector<512x128xf32>
        %reduce_min3A = arith.constant dense<0x7F800000> : vector<512xf32>
        %reduce_min3A_237 = vector.multi_reduction <minimumf>, %get3A_236, %reduce_min3A [1] : vector<512x128xf32> to vector<512xf32>
        %swap3A = arith.index_cast %while3A_47 : i32 to index
        %swap3A_238 = arith.constant 0 : index
        %swap3A_239 = arith.constant 0 : index
        %swap3A_240 = vector.load %arg3[%swap3A, %swap3A_238, %swap3A_239] : memref<10x1x512xf32, #tpu.memory_space<vmem>>, vector<1x1x512xf32>
        %swap3A_241 = vector.shape_cast %swap3A_240 : vector<1x1x512xf32> to vector<512xf32>
        %swap3A_242 = vector.shape_cast %reduce_min3A_237 : vector<512xf32> to vector<1x1x512xf32>
        tpu.vector_store %arg3[%swap3A, %swap3A_238, %swap3A_239], %swap3A_242 {strides = array<i32>} : memref<10x1x512xf32, #tpu.memory_space<vmem>>, vector<1x1x512xf32>,
      } else {
      }
      %add3A_151 = arith.constant 1 : i32
      %add3A_152 = arith.addi %while3A_48, %add3A_151 : i32
      %eq3A_153 = arith.cmpi eq, %add3A_152, %while3A_49 : i32
      %convert_element_type3A_154 = arith.extui %eq3A_153 : i1 to i32
      %add3A_155 = arith.addi %while3A_47, %convert_element_type3A_154 : i32
      %min3A_156 = arith.constant 9 : i32
      %min3A_157 = arith.minsi %add3A_155, %min3A_156 : i32
      %jit3A_158 = arith.constant 0 : i32
      %select_n3A_159 = arith.select %eq3A_153, %jit3A_158, %add3A_152 : i32
      %min3A_160 = arith.constant 9 : i32
      %min3A_161 = arith.minsi %min3A_157, %min3A_160 : i32
      %get3A_162 = arith.index_cast %min3A_161 : i32 to index
      %get3A_163 = memref.load %arg1[%get3A_162] : memref<16xi32, #tpu.memory_space<smem>>
      %add3A_164 = arith.constant 255 : i32
      %add3A_165 = arith.addi %get3A_163, %add3A_164 : i32
      %jit3A_166 = arith.constant 256 : i32
      %div3A_167 = arith.divsi %add3A_165, %jit3A_166 : i32
      %sign3A_168 = arith.constant 0 : i32
      %sign3A_169 = arith.cmpi sgt, %add3A_165, %sign3A_168 : i32
      %sign3A_170 = arith.extui %sign3A_169 : i1 to i32
      %sign3A_171 = arith.constant 0 : i32
      %sign3A_172 = arith.cmpi slt, %add3A_165, %sign3A_171 : i32
      %sign3A_173 = arith.extui %sign3A_172 : i1 to i32
      %sign3A_174 = arith.subi %sign3A_170, %sign3A_173 : i32
      %sign3A_175 = arith.constant 0 : i32
      %sign3A_176 = arith.cmpi sgt, %jit3A_166, %sign3A_175 : i32
      %sign3A_177 = arith.extui %sign3A_176 : i1 to i32
      %sign3A_178 = arith.constant 0 : i32
      %sign3A_179 = arith.cmpi slt, %jit3A_166, %sign3A_178 : i32
      %sign3A_180 = arith.extui %sign3A_179 : i1 to i32
      %sign3A_181 = arith.subi %sign3A_177, %sign3A_180 : i32
      %ne3A_182 = arith.cmpi ne, %sign3A_174, %sign3A_181 : i32
      %rem3A_183 = arith.remsi %add3A_165, %jit3A_166 : i32
      %ne3A_184 = arith.constant 0 : i32
      %ne3A_185 = arith.cmpi ne, %rem3A_183, %ne3A_184 : i32
      %and3A_186 = arith.andi %ne3A_182, %ne3A_185 : i1
      %sub3A_187 = arith.constant 1 : i32
      %sub3A_188 = arith.subi %div3A_167, %sub3A_187 : i32
      %select_n3A_189 = arith.select %and3A_186, %sub3A_188, %div3A_167 : i32
      %select_n3A_190 = arith.select %eq3A_153, %select_n3A_189, %while3A_49 : i32
      %select_n3A_191 = arith.select %eq3A_153, %get3A_163, %while3A_50 : i32
      scf.yield %min3A_157, %select_n3A_159, %select_n3A_190, %select_n3A_191, %min3A_63, %select_n3A_65, %select_n3A_96, %select_n3A_97 : i32, i32, i32, i32, i32, i32, i32, i32
    }
    return
  }
  func.func @transform_1(%arg0: i32, %arg1: memref<16xi32, #tpu.memory_space<smem>>) -> (i32, i32, i32) {
    %c0_i32 = arith.constant 0 : i32
    %c0_i32_0 = arith.constant 0 : i32
    %c0_i32_1 = arith.constant 0 : i32
    %c0_i32_2 = arith.constant 0 : i32
    return %c0_i32, %c0_i32_0, %c0_i32_1 : i32, i32, i32
  }
}

</mosaic_0001>

<sc_bundles>
// kernel: kernel.4.cloned.1.call-start
scs
__scs_entry_jumppad:
0x0: {  	(pc) =	sbr.rel $0x88, $3  }
0x1: {  	(tag) =	ssettag $0x0;
	lr =	simm.s32 $0x1  }
0x2: {  	[smem:$0x3F9F] =	sst lr;
	_ =	strace $0xD0000000  }
0x3: {  	_ = 	snop  }
0x4: {  	_ = 	snop  }
0x5: {  	_ = 	snop  }
0x6: {  	_ = 	snop  }
0x7: {  	_ = 	snop  }
__scs_overlays_trampoline_lowered:
0x8: {  	[smem:$0x3FAE] =	sst s0  }
0x9: {  	[smem:$0x3FAF] =	sst s1  }
0xa: {  	[smem:$0x3FB0] =	sst s2  }
0xb: {  	[smem:$0x3FB1] =	sst s3  }
0xc: {  	[smem:$0x3FB2] =	sst s4  }
0xd: {  	[smem:$0x3FB3] =	sst s5  }
0xe: {  	[smem:$0x3FB4] =	sst s6  }
0xf: {  	[smem:$0x3FB5] =	sst s7  }
0x10: {  	[smem:$0x3FB6] =	sst s8  }
0x11: {  	[smem:$0x3FB7] =	sst s9;
	s0 =	simm.s32 @!p0 $0x0  }
0x12: {  	s1 =	sld [smem:$0x3F9D];
	s0 =	simm.s32 @p0 $0x1  }
0x13: {  	[smem:$0x3FB8] =	sst s0;
	s0 =	simm.s32 @!p1 $0x0  }
0x14: {  	s2 =	sld [smem:$0x3F9C];
	s0 =	simm.s32 @p1 $0x1  }
0x15: {  	[smem:$0x3FB9] =	sst s0;
	s0 =	simm.s32 @!p2 $0x0  }
0x16: {  	s3 =	sld [smem:$0x3FDB];
	s0 =	simm.s32 @p2 $0x1  }
0x17: {  	s4 =	simm.s32 $0x1BF5;
	[smem:$0x3FBB] =	sst s0  }
0x18: {  	s0 =	sld [smem:$0x3F9E];
	_ =	swait.ge [sflag:s4], $0x0  }
0x19: {  	s7 =	sld [smem:$0x3F9F]  }
0x1a: {  	s8 =	sadd.s32 $0xFFFFE003, lr  }
0x1b: {  	s9 =	sadd.s32 $0xFFFFFEF7, lr;
	s5 =	simm.s32 $0xFFFFFFFF;
	p2 =	slt.u32 s8, $0xFFFFF086  }
0x1c: {  	p1 =	slt.u32 s9, $0xF7A;
	s5 =	simm.s32 @!p2 $0x0  }
0x1d: {  	s5 =	simm.s32 @p1 $0x1;
	p0 =	seq.s32 s7, s2  }
0x1e: {  	s7 =	smul.u32 @!p0 $0xF7A, s2;
	p2 =	seq.s32 @!p0 s5, $0x0  }
0x1f: {  	s9 =	smul.u32 $0xF7A, s1;
	s8 =	simm.s32 @!p0 $0x1BF5;
	p2 =	por !p2, p0  }
0x20: {  	[sflag:s8] =	ssyncset.s32 @!p0 $0xFFFFF086;
	s6 =	sadd.s32 @!p0 s3, s7;
	s7 =	simm.s32 @!p0 $0x108  }
0x21: {  	s3 =	sadd.s32 s3, s9;
	s6 =	sadd.s32 @!p0 $0x88, s6;
	s7 =	simm.s32 @p2 $0x1082  }
0x22: {  	[simem:s7], [sflag:s8] =	dma.local @!p0 [hbm:s6], $0xF7A  }
0x23: {  	s9 =	sor.u32 $0xD0000000, s2;
	s6 =	simm.s32 $0x108;
	_ =	swait.ge @!p0 [sflag:s8], $0x0  }
0x24: {  	s3 =	sadd.s32 $0x88, s3;
	s6 =	simm.s32 @!p1 $0x1082;
	[sflag:s4] =	ssyncset.s32 $0xFFFFF086  }
0x25: {  	[simem:s6], [sflag:s4] =	dma.local [hbm:s3], $0xF7A  }
0x26: {  	[smem:$0x3F9F] =	sst s1;
	(tag) =	ssettag s2;
	_ =	strace s9  }
0x27: {  	s1 =	sld [smem:$0x3FAF]  }
0x28: {  	s2 =	sld [smem:$0x3FB0]  }
0x29: {  	s4 =	sld [smem:$0x3FB2]  }
0x2a: {  	p0 =	seq.s32 s5, $0x0;
	s5 =	sld [smem:$0x3FB3]  }
0x2b: {  	s6 =	sld [smem:$0x3FB4]  }
0x2c: {  	s7 =	sld [smem:$0x3FB5]  }
0x2d: {  	s3 =	simm.s32 $0x108;
	s8 =	sld [smem:$0x3FB6]  }
0x2e: {  	s3 =	simm.s32 @!p0 $0x1082;
	s9 =	sld [smem:$0x3FB7]  }
0x2f: {  	lr =	sadd.s32 s0, s3;
	s0 =	sld [smem:$0x3FAE]  }
0x30: {  	s3 =	sld [smem:$0x3FB1]  }
0x31: {  	[smem:$0x3FBA] =	sst s10  }
0x32: {  	s10 =	sld [smem:$0x3FB8];
	_ =	sdelay $0x3  }
0x33: {  	p0 =	seq.s32 s10, $0x1;
	s10 =	sld [smem:$0x3FBA];
	_ =	sdelay $0x3  }
0x34: {  	[smem:$0x3FBA] =	sst s10  }
0x35: {  	s10 =	sld [smem:$0x3FB9];
	_ =	sdelay $0x3  }
0x36: {  	p1 =	seq.s32 s10, $0x1;
	s10 =	sld [smem:$0x3FBA];
	_ =	sdelay $0x3  }
0x37: {  	[smem:$0x3FBA] =	sst s10  }
0x38: {  	s10 =	sld [smem:$0x3FBB]  }
0x39: {  	_ = 	snop;
	(pc) =	sbr.ind lr, $3  }
0x3a: {  	_ = 	snop  }
0x3b: {  	_ = 	snop  }
0x3c: {  	p2 =	seq.s32 s10, $0x1;
	s10 =	sld [smem:$0x3FBA]  }
0x3d: {  	_ =	shalt  }
0x3e: {  	_ =	shalt  }
0x3f: {  	_ =	shalt  }
0x40: {  	_ =	shalt  }
0x41: {  	_ =	shalt  }
0x42: {  	_ =	shalt  }
0x43: {  	_ =	shalt  }
0x44: {  	_ =	shalt  }
0x45: {  	_ =	shalt  }
0x46: {  	_ =	shalt  }
0x47: {  	_ =	shalt  }
0x48: {  	_ =	shalt  }
0x49: {  	_ =	shalt  }
0x4a: {  	_ =	shalt  }
0x4b: {  	_ =	shalt  }
0x4c: {  	_ =	shalt  }
0x4d: {  	_ =	shalt  }
0x4e: {  	_ =	shalt  }
0x4f: {  	_ =	shalt  }
0x50: {  	_ =	shalt  }
0x51: {  	_ =	shalt  }
0x52: {  	_ =	shalt  }
0x53: {  	_ =	shalt  }
0x54: {  	_ =	shalt  }
0x55: {  	_ =	shalt  }
0x56: {  	_ =	shalt  }
0x57: {  	_ =	shalt  }
0x58: {  	_ =	shalt  }
0x59: {  	_ =	shalt  }
0x5a: {  	_ =	shalt  }
0x5b: {  	_ =	shalt  }
0x5c: {  	_ =	shalt  }
0x5d: {  	_ =	shalt  }
0x5e: {  	_ =	shalt  }
0x5f: {  	_ =	shalt  }
0x60: {  	_ =	shalt  }
0x61: {  	_ =	shalt  }
0x62: {  	_ =	shalt  }
0x63: {  	_ =	shalt  }
0x64: {  	_ =	shalt  }
0x65: {  	_ =	shalt  }
0x66: {  	_ =	shalt  }
0x67: {  	_ =	shalt  }
0x68: {  	_ =	shalt  }
0x69: {  	_ =	shalt  }
0x6a: {  	_ =	shalt  }
0x6b: {  	_ =	shalt  }
0x6c: {  	_ =	shalt  }
0x6d: {  	_ =	shalt  }
0x6e: {  	_ =	shalt  }
0x6f: {  	_ =	shalt  }
0x70: {  	_ =	shalt  }
0x71: {  	_ =	shalt  }
0x72: {  	_ =	shalt  }
0x73: {  	_ =	shalt  }
0x74: {  	_ =	shalt  }
0x75: {  	_ =	shalt  }
0x76: {  	_ =	shalt  }
0x77: {  	_ =	shalt  }
0x78: {  	_ =	shalt  }
0x79: {  	_ =	shalt  }
0x7a: {  	_ =	shalt  }
0x7b: {  	_ =	shalt  }
0x7c: {  	_ =	shalt  }
0x7d: {  	_ =	shalt  }
0x7e: {  	_ =	shalt  }
0x7f: {  	_ =	shalt  }
0x80: {  	_ =	shalt  }
0x81: {  	_ =	shalt  }
0x82: {  	_ =	shalt  }
0x83: {  	_ =	shalt  }
0x84: {  	_ =	shalt  }
0x85: {  	_ =	shalt  }
0x86: {  	_ =	shalt  }
0x87: {  	_ =	shalt  }
.Lfunc_end0:
.L_simem_size_0:
called_computation_lowered:
.L_overlay_start_0:
0x88: {  	s2 =	sld [smem:$0x3FD9]  }
0x89: {  	s3 =	sld [smem:$0x3FFE];
	_ =	sdelay $0x1  }
0x8a: {  	s1 =	srdreg.scid  }
0x8b: {  	s0 =	sand.u32 $0x1, s1  }
0x8c: {  	s18 =	sshll.u32 s0, $0xA;
	s2 =	sadd.s32 s3, s2  }
0x8d: {  	s2 =	sadd.s32 s2, s18  }
0x8e: {  	[smem:$0x3FC6] =	sst s2  }
0x8f: {  	_ = 	snop  }
0x90: {  	s2 =	sld [smem:$0x3FC9]  }
0x91: {  	s19 =	sld [smem:$0x3FC8]  }
0x92: {  	s4 =	sld [smem:$0x3FD0];
	(tm) =	ssettm $0x1  }
0x93: {  	s5 =	sld [smem:$0x3FFB];
	_ =	sdelay $0x3  }
0x94: {  	_ =	strace s5  }
0x95: {  	s5 =	sld [smem:$0x3FFC];
	_ =	sdelay $0x3  }
0x96: {  	_ =	strace s5  }
0x97: {  	s5 =	sld [smem:$0x3FFD];
	_ =	sdelay $0x3  }
0x98: {  	_ =	strace s5  }
0x99: {  	_ =	strace $0x8FFFFFFF  }
0x9a: {  	s20 =	sld [smem:$0x3FDB];
	_ =	sdelay $0x1  }
0x9b: {  	s6 =	simm.s32 $_scs_section_size  }
0x9c: {  	s7 =	simm.s32 $_size__tile_overlayer_lowered;
	s8 =	simm.s32 $_tile_overlayer_lowered  }
0x9d: {  	s23 =	simm.s32 $0x1BFF;
	s22 =	sshll.u32 s8, $0x1;
	s5 =	sadd.s32 s6, s20  }
0x9e: {  	s9 =	simm.s32 $0x0;
	s21 =	sshll.u32 s7, $0x1;
	s7 =	sadd.s32 s22, s5  }
0x9f: {  	[timem:s9], [sflag:s23] =	dma.local [hbm:s7], s21  }
0xa0: {  	_ =	swait.ge [sflag:s23], s21  }
0xa1: {  	s6 =	ssub.s32 $0x0, s21;
	[sflag:s23] =	ssyncset.done $0x0  }
0xa2: {  	[sflag:s23] =	ssyncadd.s32 s6;
	_ =	sdelay $0x1  }
0xa3: {  	s24 =	simm.s32 $0x1B8B  }
0xa4: {  	_ =	swait.ge [sflag:s24], $0x1  }
0xa5: {  	[sflag:s24] =	ssyncset.done $0x0  }
0xa6: {  	s25 =	simm.s32 $0x1B8E;
	[sflag:s24] =	ssyncadd.s32 $0xFFFFFFFF  }
0xa7: {  	s26 =	simm.s32 $execute0_lowered;
	[smem:$0x3FD2] =	sst s25  }
0xa8: {  	s6 =	sshll.u32 s26, $0x1;
	_ =	strace $0x80000046;
	[dreg:$0x1] =	wrdreg $0xFFFFFFFF  }
0xa9: {  	s28 =	simm.s32 $_size_execute0_lowered;
	s5 =	sadd.s32 s5, s6;
	[dreg:$0x0] =	wrdreg $0x0  }
0xaa: {  	s6 =	sshll.u32 s28, $0x1;
	[dreg:$0x2] =	wrdreg s5  }
0xab: {  	[dreg:$0x3] =	wrdreg s6  }
0xac: {  	[dreg:$0x4] =	wrdreg $0xC0  }
0xad: {  	_ =	task [dreg:s9], $0x5FFFF  }
0xae: {  	[dreg:$0x1] =	wrdreg $0xFFFFFFFF  }
0xaf: {  	[dreg:$0x0] =	wrdreg $0x60  }
0xb0: {  	[dreg:$0x2] =	wrdreg s2  }
0xb1: {  	[dreg:$0x3] =	wrdreg s19  }
0xb2: {  	[dreg:$0x4] =	wrdreg s4  }
0xb3: {  	[dreg:$0x5] =	wrdreg $0x9  }
0xb4: {  	_ =	task.clear_ibuf [dreg:s9], $0x6FFFF;
	_ =	strace $0x90000046  }
0xb5: {  	s29 =	simm.s32 $0x9;
	_ =	strace $0x80000048  }
0xb6: {  	_ =	swait.ge [sflag:s29], $0x1  }
0xb7: {  	[sflag:s29] =	ssyncadd.s32 $0xFFFFFFFF  }
0xb8: {  	_ =	strace $0x90000048  }
0xb9: {  	_ =	sfence  }
0xba: {  	s30 =	sld [smem:$0x0];
	_ =	sdelay $0x2  }
0xbb: {  	s31 =	sshll.u32 s1, $0xD;
	s1 =	sshrl.u32 s1, $0x2  }
0xbc: {  	s3 =	sand.u32 $0x4000, s31;
	s1 =	sadd.s32 s1, s30  }
0xbd: {  	s0 =	sor.u32 s3, s0;
	s1 =	sshll.u32 s1, $0x11  }
0xbe: {  	s0 =	sor.u32 s1, s0  }
0xbf: {  	s0 =	sadd.s32 $0x8F2B, s0  }
0xc0: {  	[sflag:s0] =	ssyncadd.remote.s32 $0x1  }
0xc1: {  	_ =	sfence.sel $0xFFFF  }
0xc2: {  	[dreg:$0x0] =	wrdreg $0xFFFFFFFF;
	(pc) =	sbr.abs _section_cstart, $3  }
0xc3: {  	[dreg:$0x1] =	wrdreg $0xFFFFFFFF  }
0xc4: {  	_ =	task.clear_ibuf [dreg:s9], $0x2FFFF;
	_ =	strace $0x9FFFFFFF  }
0xc5: {  	(tm) =	ssettm $0x7FFFFFFF  }
tec
execute0_lowered:
.L_overlay_start_1:
0x0: {  	(tag) =	ssettag $0x1  }
0x1: {  	v0 =	vimm.s32 $0xFEDCBA98;
	s0 =	rddreg [dreg:$0x0]  }
0x2: {  	v1 =	vimm.s32 $0x76543210;
	s1 =	rddreg [dreg:$0x1];
	v2 =	vimm.s32 $0xBA98FEDC;
	v3 =	vimm.s32 $0x32107654  }
0x3: {  	s6 =	rddreg [dreg:$0x2];
	s3 =	simm.s32 $0x0;
	v4 =	vimm.s32 $0xDCFE98BA;
	v5 =	vimm.s32 $0x54761032;
	v6 =	vimm.s32 $0xEFCDAB89  }
0x4: {  	s2 =	rddreg [dreg:$0x3];
	s4 =	srdreg.scid;
	v7 =	vimm.s32 $0x67452301;
	s10 =	simm.s32 $0x10800;
	v0 =	vunpack.c.l.s4.s8 v0;
	v1 =	vunpack.c.l.s4.s8 v1  }
0x5: {  	s11 =	simm.s32 $0x0;
	[smem:$0x7FF] =	sst s3;
	s5 =	sand.u32 $0x1, s4;
	v2 =	vunpack.c.l.s4.s8 v2;
	v3 =	vunpack.c.l.s4.s8 v3;
	v4 =	vunpack.c.l.s4.s8 v4  }
0x6: {  	s4 =	stileid.u32;
	v5 =	vunpack.c.l.s4.s8 v5;
	v6 =	vunpack.c.l.s4.s8 v6;
	v7 =	vunpack.c.l.s4.s8 v7;
	_ =	strace $0x80000047;
	s7 =	ssub.s32 $0x2, s5  }
.Ltmp0:
0x7: {  	s5 =	sshll.u32 s5, $0x4;
	s9 =	sshll.u32 s4, $0x4;
	v0 =	vunpack.c.0.s8.s32 v0;
	v1 =	vunpack.c.0.s8.s32 v1;
	v2 =	vunpack.c.0.s8.s32 v2;
	(pc) =	sbr.rel .LBB2_1-.Ltmp0, $4  }
0x8: {  	s8 =	sshrl.u32 s7, $0x1;
	s5 =	sor.u32 s4, s5;
	s9 =	sand.u32 $0x70, s9;
	v3 =	vunpack.c.0.s8.s32 v3;
	v4 =	vunpack.c.0.s8.s32 v4;
	v5 =	vunpack.c.0.s8.s32 v5  }
0x9: {  	v6 =	vunpack.c.0.s8.s32 v6;
	v7 =	vunpack.c.0.s8.s32 v7;
	s7 =	ssub.s32 s7, s8;
	s31 =	sshll.u32 s5, $0x4;
	s5 =	sshll.u32 s5, $0x10;
	v0 =	vand.u32 $0xF, v0  }
0xa: {  	s6 =	sadd.s32 s6, s9;
	s9 =	simm.s32 $0x9;
	s8 =	sand.u32 $0x180, s31;
	v0 =	vcombine.low v0, v1;
	v1 =	vcombine.low v3, v2  }
0xb: {  	s7 =	smax.u32 s7, $0x1;
	s6 =	sadd.s32 s8, s6;
	s8 =	simm.s32 $0x10880;
	v2 =	vcombine.low v5, v4;
	v3 =	vcombine.low v7, v6;
	v4 =	vlaneseq.u32  }
.LBB2_19:
0xc: {  	s11 =	sadd.s32 $0x1, s11  }
0xd: {  	p0 =	sne.s32 s11, s7  }
.Ltmp1:
0xe: {  	_ = 	snop;
	(pc) =	sbr.rel @!p0 .LBB2_20-.Ltmp1, $4  }
0xf: {  	[hbm4b:s6+s3] =	stream.linear.scatter [tilespmem:s10], [sflag:$0x9], $0x80, $0x38;
	[tilespmem:$0x10900] =	vst v63  }
0x10: {  	_ =	swait.ge [sflag:s9], $0x80  }
0x11: {  	[sflag:s9] =	ssyncset.done $0x0  }
0x12: {  	[sflag:s9] =	ssyncadd.s32 $0xFFFFFF80  }
.LBB2_1:
0x13: {  	[tilespmem:s8], [sflag:$0x9] =	stream.linear.gather [hbm4b:s1+s3], $0x10, $0x38;
	[tilespmem:$0x10900] =	vst v63  }
0x14: {  	_ =	swait.ge [sflag:s9], $0x10  }
0x15: {  	[sflag:s9] =	ssyncset.done $0x0  }
0x16: {  	s12 =	simm.s32 $0x0;
	[sflag:s9] =	ssyncadd.s32 $0xFFFFFFF0  }
0x17: {  	v5 =	vld [tilespmem:s12+$0x1088A];
	_ =	sdelay $0x4  }
0x18: {  	(v2sf) =	vpush v5, $0x0  }
0x19: {  	s30 =	simm.s32 $0x1  }
0x1a: {  	s31 =	simm.s32 $0x2;
	v5 =	vld [tilespmem:s30+$0x1088A]  }
0x1b: {  	v6 =	vld [tilespmem:s31+$0x1088A];
	_ =	sdelay $0x3  }
0x1c: {  	(v2sf) =	vpush v5, $0x0  }
0x1d: {  	(v2sf) =	vpush v6, $0x0;
	_ =	sdelay $0x5  }
0x1e: {  	s14 =	simm.s32 $0x3  }
0x1f: {  	s13 =	simm.s32 $0x10;
	s12 =	simm.s32 $0x0;
	s15 =	spop (v2sf)  }
.LBB2_2:
0x20: {  	p0 =	sne.s32 s13, $0x14;
	v5 =	vld [tilespmem:s14+$0x1088A];
	s14 =	sadd.s32 $0x1FF, s15  }
0x21: {  	s15 =	sshra.s32 s14, $0x1F;
	s16 =	sand.u32 $0x1FF, s14;
	p1 =	slt.s32 s14, $0x1  }
.Ltmp2:
0x22: {  	s15 =	sshrl.u32 s15, $0x17;
	p2 =	sne.s32 s16, $0x0;
	(pc) =	sbr.rel @p0 .LBB2_2-.Ltmp2, $4  }
0x23: {  	s14 =	sadd.s32 s15, s14;
	p1 =	por !p1, !p2  }
0x24: {  	s16 =	simm.s32 $0x1;
	s15 =	sshra.s32 s14, $0x9;
	p1 =	por !p1, !p1  }
0x25: {  	s14 =	sshra.s32 s13, $0x2;
	(v2sf) =	vpush v5, $0x0;
	s12 =	sadd.s32 s12, s15;
	s16 =	simm.s32 @!p1 $0x0  }
0x26: {  	s13 =	sadd.s32 $0x4, s13;
	s15 =	spop (v2sf);
	s12 =	ssub.s32 s12, s16  }
0x27: {  	_ = 	snop  }
0x28: {  	v5 =	vld [tilespmem:s14+$0x1088A];
	_ =	sdelay $0x3  }
0x29: {  	v6 =	vld [tilespmem:$0x1088A]  }
0x2a: {  	(v2sf) =	vpush v5, $0x0  }
0x2b: {  	s13 =	sadd.s32 $0x1FF, s15  }
0x2c: {  	s30 =	spop (v2sf);
	s29 =	sshra.s32 s13, $0x1F  }
0x2d: {  	s15 =	sand.u32 $0x1FF, s13;
	p0 =	slt.s32 s13, $0x1;
	s31 =	sadd.s32 $0x1FF, s30  }
0x2e: {  	s14 =	sshrl.u32 s29, $0x17;
	p1 =	sne.s32 s15, $0x0;
	s15 =	simm.s32 $0x1;
	(v2sf) =	vpush v6, $0x0  }
0x2f: {  	s16 =	sand.u32 $0x1FF, s31;
	p3 =	slt.s32 s31, $0x1;
	s13 =	sadd.s32 s14, s13  }
0x30: {  	p0 =	por !p0, !p1;
	s14 =	sshra.s32 s31, $0x1F;
	p4 =	sne.s32 s16, $0x0  }
0x31: {  	s13 =	sshra.s32 s13, $0x9;
	p0 =	por !p0, !p0;
	s14 =	sshrl.u32 s14, $0x17  }
0x32: {  	s12 =	sadd.s32 s12, s13;
	s15 =	simm.s32 @!p0 $0x0;
	s13 =	sadd.s32 s14, s31  }
0x33: {  	p0 =	por !p3, !p4;
	s12 =	ssub.s32 s12, s15;
	s17 =	spop (v2sf)  }
0x34: {  	s13 =	sshra.s32 s13, $0x9;
	p0 =	por !p0, !p0;
	s14 =	sadd.s32 $0x1FF, s17  }
0x35: {  	s12 =	sadd.s32 s12, s13;
	s13 =	simm.s32 $0x1;
	s18 =	sshra.s32 s14, $0x1F  }
0x36: {  	s13 =	simm.s32 @!p0 $0x0;
	s16 =	sand.u32 $0x1FF, s14;
	s15 =	sshrl.u32 s18, $0x17  }
0x37: {  	p5 =	slt.s32 s14, $0x1;
	p6 =	sne.s32 s16, $0x0;
	s14 =	sadd.s32 s15, s14  }
0x38: {  	s12 =	ssub.s32 s12, s13;
	p0 =	por !p5, !p6;
	s19 =	sshra.s32 s14, $0x9  }
0x39: {  	p0 =	por !p0, !p0;
	s14 =	simm.s32 $0x1;
	s20 =	spop (v2sf)  }
0x3a: {  	s12 =	sadd.s32 s12, s19;
	s14 =	simm.s32 @!p0 $0x0;
	s21 =	sadd.s32 $0x1FF, s20  }
0x3b: {  	s14 =	ssub.s32 s12, s14;
	s22 =	sshra.s32 s21, $0x1F;
	s15 =	sand.u32 $0x1FF, s21  }
0x3c: {  	p1 =	slt.s32 s21, $0x1;
	s12 =	sshrl.u32 s22, $0x17;
	p2 =	sne.s32 s15, $0x0  }
0x3d: {  	s13 =	sadd.s32 s12, s21;
	p0 =	por !p1, !p2;
	s12 =	spop (v2sf)  }
0x3e: {  	s13 =	sshra.s32 s13, $0x9;
	p0 =	por !p0, !p0;
	s23 =	sadd.s32 $0x1FF, s12  }
0x3f: {  	s13 =	sadd.s32 s14, s13;
	s14 =	simm.s32 $0x1;
	s24 =	sand.u32 $0x1FF, s23  }
0x40: {  	s25 =	sshra.s32 s23, $0x1F;
	p2 =	slt.s32 s23, $0x1;
	p3 =	sne.s32 s24, $0x0  }
0x41: {  	s14 =	simm.s32 @!p0 $0x0;
	s16 =	sshrl.u32 s25, $0x17;
	p4 =	por !p2, !p3  }
0x42: {  	s15 =	sadd.s32 s16, s23;
	s16 =	simm.s32 $0x1;
	p0 =	por !p4, !p4  }
0x43: {  	s13 =	ssub.s32 s13, s14;
	s26 =	sshra.s32 s15, $0x9;
	s16 =	simm.s32 @!p0 $0x0  }
0x44: {  	p1 =	sle.s32 s13, $0x0;
	s14 =	ssub.s32 s26, s16  }
0x45: {  	s17 =	simm.s32 $0x1;
	s15 =	simm.s32 @!p1 $0x1400000;
	p0 =	seq.s32 s14, $0x1  }
0x46: {  	s18 =	simm.s32 $0x1;
	s15 =	sor.u32 @!p1 s5, s15;
	s17 =	simm.s32 @!p0 $0x0  }
0x47: {  	s20 =	simm.s32 @!p1 $0x8000;
	s19 =	sadd.s32 @!p1 $0x0, s15;
	s15 =	sadd.s32 $0xA, s17  }
0x48: {  	s16 =	simm.s32 $0x0;
	s17 =	sshrl.u32 @!p1 s19, $0x3;
	p2 =	slt.s32 s15, $0xF  }
0x49: {  	s19 =	simm.s32 @!p1 $0x1000;
	s17 =	sadd.s32 @!p1 s0, s17;
	s15 =	simm.s32 @!p2 $0xF  }
0x4a: {  	[tilespmem:s16], [sflag:s18] =	stream.strided.gather @!p1 [hbm4b:s17+s19], $0x2000, s20, s19, $0x38;
	[tilespmem:$0x10900] =	vst v63  }
0x4b: {  	v5 =	vld [tilespmem:s15+$0x10880];
	_ =	sdelay $0x4  }
0x4c: {  	(v2sf) =	vpush v5, $0x0;
	_ =	sdelay $0xe  }
0x4d: {  	s28 =	spop (v2sf)  }
0x4e: {  	s22 =	simm.s32 $0x1;
	s29 =	sadd.s32 $0x1FF, s28  }
0x4f: {  	s19 =	simm.s32 $0x1;
	s16 =	simm.s32 $0x1;
	s30 =	sand.u32 $0x1FF, s29  }
0x50: {  	s21 =	sshra.s32 s29, $0x1F;
	p5 =	slt.s32 s29, $0x1;
	p6 =	sne.s32 s30, $0x0  }
0x51: {  	s20 =	simm.s32 $0x2000;
	s31 =	sshrl.u32 s21, $0x17;
	p1 =	por !p5, !p6  }
0x52: {  	s16 =	simm.s32 @p0 $0x0;
	s17 =	sadd.s32 s31, s29;
	p1 =	por !p1, !p1  }
0x53: {  	s21 =	sshra.s32 s17, $0x9;
	s17 =	smov.u32 s14;
	s22 =	simm.s32 @!p1 $0x0  }
.LBB2_4:
0x54: {  	p2 =	sge.s32 s19, s13;
	s21 =	ssub.s32 s21, s22;
	s18 =	sadd.s32 $0x1, s18  }
0x55: {  	s22 =	sadd.s32 $0x1, s16;
	s19 =	sadd.s32 $0x1, s19;
	s23 =	simm.s32 $0x1  }
0x56: {  	s17 =	smov.u32 @p0 s21;
	s21 =	sshll.u32 @!p2 s15, $0x15;
	p1 =	seq.s32 s19, $0x7  }
0x57: {  	s16 =	sshll.u32 @!p2 s16, $0xC;
	p0 =	seq.s32 s22, s17;
	s21 =	sor.u32 @!p2 s5, s21  }
0x58: {  	s23 =	simm.s32 @!p0 $0x0;
	s21 =	sadd.s32 @!p2 s16, s21;
	s16 =	smov.u32 s22  }
0x59: {  	s15 =	sadd.s32 s23, s15;
	s16 =	simm.s32 @p0 $0x0  }
0x5a: {  	s22 =	simm.s32 @!p2 $0x1000;
	s21 =	sshrl.u32 @!p2 s21, $0x3;
	p3 =	slt.s32 s15, $0xF  }
0x5b: {  	s23 =	simm.s32 @!p2 $0x8000;
	s21 =	sadd.s32 @!p2 s0, s21;
	s15 =	simm.s32 @!p3 $0xF  }
0x5c: {  	[tilespmem:s20], [sflag:s18] =	stream.strided.gather @!p2 [hbm4b:s21+s22], $0x2000, s23, s22, $0x38;
	[tilespmem:$0x10900] =	vst v63  }
0x5d: {  	v5 =	vld [tilespmem:s15+$0x10880];
	_ =	sdelay $0x4  }
0x5e: {  	(v2sf) =	vpush v5, $0x0;
	_ =	sdelay $0xe  }
0x5f: {  	s21 =	spop (v2sf)  }
0x60: {  	s21 =	sadd.s32 $0x1FF, s21  }
.Ltmp3:
0x61: {  	s22 =	sand.u32 $0x1FF, s21;
	(pc) =	sbr.rel @!p1 .LBB2_4-.Ltmp3, $4  }
0x62: {  	s23 =	sshra.s32 s21, $0x1F;
	p2 =	slt.s32 s21, $0x1;
	p3 =	sne.s32 s22, $0x0  }
0x63: {  	s22 =	sshrl.u32 s23, $0x17;
	p2 =	por !p2, !p3  }
0x64: {  	s21 =	sadd.s32 s22, s21;
	s22 =	simm.s32 $0x1;
	p2 =	por !p2, !p2  }
0x65: {  	s20 =	sadd.s32 $0x2000, s20;
	s21 =	sshra.s32 s21, $0x9;
	s22 =	simm.s32 @!p2 $0x0  }
0x66: {  	s18 =	ssub.s32 s21, s22  }
0x67: {  	s17 =	smov.u32 @p0 s18;
	p0 =	sgt.s32 s13, $0x0  }
.Ltmp4:
0x68: {  	_ = 	snop;
	(pc) =	sbr.rel @p0 .LBB2_6-.Ltmp4, $4  }
.Ltmp5:
0x69: {  	_ = 	snop;
	(pc) =	sbr.rel @!p0 .LBB2_19-.Ltmp5, $4  }
0x6a: {  	_ = 	snop  }
0x6b: {  	s19 =	simm.s32 $0x0  }
0x6c: {  	s20 =	simm.s32 $0x0;
	s21 =	simm.s32 $0x0;
	s18 =	simm.s32 $0xA  }
0x6d: {  	_ = 	snop  }
.LBB2_18:
0x6e: {  	s20 =	sadd.s32 $0x1, s20  }
0x6f: {  	s22 =	simm.s32 $0x1;
	p0 =	seq.s32 s20, s14  }
0x70: {  	s22 =	simm.s32 @!p0 $0x0  }
0x71: {  	s18 =	sadd.s32 s22, s18  }
0x72: {  	p1 =	slt.s32 s18, $0xF  }
0x73: {  	s18 =	simm.s32 @!p1 $0xF  }
0x74: {  	v5 =	vld [tilespmem:s18+$0x10880];
	_ =	sdelay $0x4  }
0x75: {  	(v2sf) =	vpush v5, $0x0;
	_ =	sdelay $0xe  }
0x76: {  	s22 =	spop (v2sf)  }
0x77: {  	s23 =	sadd.s32 $0x1FF, s22  }
0x78: {  	s24 =	sand.u32 $0x1FF, s23  }
0x79: {  	s31 =	sshra.s32 s23, $0x1F;
	p2 =	slt.s32 s23, $0x1;
	p6 =	sne.s32 s24, $0x0  }
0x7a: {  	s21 =	sadd.s32 $0x1, s21;
	s24 =	sshrl.u32 s31, $0x17;
	p1 =	por !p2, !p6  }
0x7b: {  	s23 =	sadd.s32 s24, s23;
	s24 =	simm.s32 $0x1;
	p1 =	por !p1, !p1  }
0x7c: {  	s24 =	simm.s32 @!p1 $0x0;
	p1 =	slt.s32 s21, s13  }
.Ltmp6:
0x7d: {  	_ = 	snop;
	(pc) =	sbr.rel @!p1 .LBB2_19-.Ltmp6, $4  }
0x7e: {  	_ = 	snop  }
0x7f: {  	s23 =	sshra.s32 s23, $0x9  }
0x80: {  	s19 =	sadd.s32 $0x1, s19;
	s23 =	ssub.s32 s23, s24  }
0x81: {  	s20 =	simm.s32 @p0 $0x0;
	s12 =	smov.u32 @p0 s22;
	s14 =	smov.u32 @p0 s23  }
.LBB2_6:
0x82: {  	s22 =	sadd.s32 $0x7, s21  }
0x83: {  	p0 =	sge.s32 s22, s13  }
0x84: {  	s23 =	sshll.u32 @!p0 s15, $0x15  }
0x85: {  	s24 =	sshll.u32 @!p0 s16, $0xC;
	s23 =	sor.u32 @!p0 s5, s23  }
0x86: {  	s22 =	sand.u32 @!p0 $0x7, s22;
	s25 =	simm.s32 @!p0 $0x1000;
	s23 =	sadd.s32 @!p0 s24, s23  }
0x87: {  	s26 =	simm.s32 @!p0 $0x8000;
	s16 =	sadd.s32 $0x1, s16;
	s23 =	sshrl.u32 @!p0 s23, $0x3  }
0x88: {  	s24 =	sshll.u32 @!p0 s22, $0xD;
	s22 =	sadd.s32 @!p0 $0x1, s22;
	s23 =	sadd.s32 @!p0 s0, s23  }
0x89: {  	[tilespmem:s24], [sflag:s22] =	stream.strided.gather @!p0 [hbm4b:s23+s25], $0x2000, s26, s25, $0x38;
	[tilespmem:$0x10900] =	vst v63  }
0x8a: {  	p0 =	seq.s32 s16, s17;
	s22 =	simm.s32 $0x1  }
0x8b: {  	s22 =	simm.s32 @!p0 $0x0  }
0x8c: {  	s15 =	sadd.s32 s22, s15  }
0x8d: {  	p1 =	slt.s32 s15, $0xF  }
0x8e: {  	s15 =	simm.s32 @!p1 $0xF  }
0x8f: {  	v5 =	vld [tilespmem:s15+$0x10880];
	_ =	sdelay $0x4  }
0x90: {  	(v2sf) =	vpush v5, $0x0;
	_ =	sdelay $0xb  }
0x91: {  	s23 =	sand.u32 $0x7, s21  }
0x92: {  	p3 =	sne.s32 s20, $0x0;
	s25 =	sshll.u32 s20, $0x9;
	s26 =	sadd.s32 $0x1, s23  }
0x93: {  	s28 =	ssub.s32 s12, s25;
	p4 =	sne.s32 s12, s25;
	s16 =	simm.s32 @p0 $0x0  }
0x94: {  	s23 =	sshll.u32 s23, $0xD;
	p2 =	slt.s32 s28, $0x200;
	s24 =	spop (v2sf)  }
0x95: {  	s29 =	sshra.s32 s28, $0x1F;
	s28 =	simm.s32 @!p2 $0x200;
	_ =	swait.ge [sflag:s26], $0x2000  }
0x96: {  	s31 =	sand.u32 $0x7F, s28;
	s22 =	sadd.s32 $0x1FF, s24;
	[sflag:s26] =	ssyncset.done $0x0  }
0x97: {  	v10 =	vimm.f32 @!p3 $+Inf;
	s24 =	simm.s32 $0x1;
	s30 =	sand.u32 $0x1FF, s22;
	[sflag:s26] =	ssyncadd.s32 $0xFFFFE000  }
0x98: {  	p6 =	slt.s32 s22, $0x1;
	s24 =	simm.s32 @!p4 $0x0;
	p4 =	sne.s32 s30, $0x0;
	[tilespmem:$0x10000] =	vst @!p3 v10  }
0x99: {  	s24 =	sor.u32 s24, s29;
	s26 =	sand.u32 $0x7, s19;
	s29 =	sshra.s32 s22, $0x1F;
	[tilespmem:$0x10080] =	vst @!p3 v10  }
0x9a: {  	s30 =	sshra.s32 s28, $0x1F;
	p1 =	por !p6, !p4;
	p5 =	sne.s32 s24, $0x1;
	[tilespmem:$0x10100] =	vst @!p3 v10  }
0x9b: {  	p6 =	sne.s32 s31, $0x0;
	s24 =	sshll.u32 s26, $0xF;
	s25 =	sshrl.u32 s29, $0x17;
	[tilespmem:$0x10180] =	vst @!p3 v10  }
0x9c: {  	s31 =	sshrl.u32 s30, $0x19;
	[tilespmem:$0x10200] =	vst @!p3 v10;
	s26 =	simm.s32 $0x1;
	s29 =	simm.s32 $0x1  }
0x9d: {  	[tilespmem:$0x10280] =	vst @!p3 v10;
	p2 =	por !p5, !p6;
	s22 =	sadd.s32 s25, s22;
	p1 =	por !p1, !p1  }
0x9e: {  	[tilespmem:$0x10300] =	vst @!p3 v10;
	s25 =	sadd.s32 s31, s28;
	s24 =	sshrl.u32 s24, $0x2;
	p2 =	por !p2, !p2  }
0x9f: {  	[tilespmem:$0x10380] =	vst @!p3 v10;
	s25 =	sshra.s32 s25, $0x7;
	s30 =	sshra.s32 s22, $0x9;
	s26 =	simm.s32 @!p2 $0x0  }
0xa0: {  	[tilespmem:$0x10400] =	vst @!p3 v10;
	s29 =	simm.s32 @!p1 $0x0;
	s24 =	sadd.s32 $0x40, s24;
	s22 =	ssub.s32 s25, s26  }
0xa1: {  	[tilespmem:$0x10480] =	vst @!p3 v10;
	s25 =	ssub.s32 s30, s29;
	s26 =	sshll.u32 s22, $0xC;
	s29 =	sshll.u32 s22, $0x7  }
0xa2: {  	[tilespmem:$0x10500] =	vst @!p3 v10;
	s17 =	smov.u32 @p0 s25;
	p1 =	slt.s32 s22, $0x1;
	s26 =	sshra.s32 s26, $0x2  }
.Ltmp7:
0xa3: {  	[tilespmem:$0x10580] =	vst @!p3 v10;
	s25 =	ssub.s32 s28, s29;
	p0 =	sne.s32 s28, s29;
	(pc) =	sbr.rel .LBB2_7-.Ltmp7, $4  }
0xa4: {  	[tilespmem:$0x10600] =	vst @!p3 v10;
	s23 =	sadd.s32 s26, s23;
	s26 =	sadd.s32 $0xFFFFFFF0, s25;
	s30 =	sadd.s32 $0xFFFFFFE0, s25  }
0xa5: {  	[tilespmem:$0x10680] =	vst @!p3 v10;
	s31 =	sadd.s32 $0xFFFFFFD0, s25;
	s28 =	sadd.s32 $0xFFFFFFC0, s25;
	s29 =	sadd.s32 $0xFFFFFFB0, s25;
	v9 =	vmov s25;
	v5 =	vmov s26  }
0xa6: {  	[tilespmem:$0x10700] =	vst @!p3 v10;
	p2 =	slt.s32 s25, $0x1;
	v6 =	vmov s30;
	s26 =	sadd.s32 $0xFFFFFFA0, s25;
	s30 =	sadd.s32 $0xFFFFFF90, s25;
	v7 =	vmov s31;
	v8 =	vmov s28  }
0xa7: {  	[tilespmem:$0x10780] =	vst @!p3 v10;
	v10 =	vmov s29;
	s25 =	simm.s32 $0x0;
	s28 =	simm.s32 $0x0;
	v11 =	vmov s26;
	v12 =	vmov s30;
	s26 =	simm.s32 $0x0  }
.LBB2_9:
0xa8: {  	_ = 	snop  }
.LBB2_12:
0xa9: {  	v15 =	vmin.f32 @p3 v19, v15  }
0xaa: {  	v59 =	vld [tilespmem:s30+$0xFFFFFFD0];
	v15 =	vmin.f32 @p3 v15, v16  }
0xab: {  	v60 =	vld [tilespmem:s30+$0xFFFFFFE0];
	v15 =	vmin.f32 @p3 v15, v17  }
0xac: {  	v61 =	vld [tilespmem:s30+$0xFFFFFFF0];
	v15 =	vmin.f32 @p3 v15, v18  }
0xad: {  	v62 =	vld [tilespmem:s30+$0x0];
	v13 =	vpsel p3, v15, v13  }
0xae: {  	v13 =	vmin.f32 v13, v14;
	v14 =	vld [tilespmem:s30+$0x10]  }
0xaf: {  	v15 =	vld [tilespmem:s30+$0x20];
	v13 =	vmin.f32 v13, v59  }
0xb0: {  	v63 =	vld [tilespmem:s30+$0x30];
	v13 =	vmin.f32 v13, v60  }
0xb1: {  	v13 =	vmin.f32 v13, v61  }
0xb2: {  	v13 =	vmin.f32 v13, v62  }
0xb3: {  	v13 =	vmin.f32 v13, v14  }
0xb4: {  	v13 =	vmin.f32 v13, v15  }
0xb5: {  	v13 =	vmin.f32 v13, v63  }
.LBB2_13:
0xb6: {  	s30 =	sand.u32 @!p2 $0x1000, s29;
	s31 =	sshll.u32 @!p2 s28, $0x7  }
0xb7: {  	s31 =	sand.u32 @!p2 $0x380, s31;
	s30 =	sadd.s32 @!p2 s30, s23  }
0xb8: {  	s30 =	sadd.s32 @!p2 s31, s30  }
0xb9: {  	v14 =	vld @!p2 [tilespmem:s30+$0x0];
	_ =	sdelay $0x1  }
0xba: {  	v15 =	vld @!p2 [tilespmem:s30+$0x10];
	_ =	sdelay $0x1  }
0xbb: {  	v16 =	vlaneseq.u32 @!p2;
	v17 =	vld @!p2 [tilespmem:s30+$0x20]  }
0xbc: {  	vm0 =	vgt.s32 @!p2 v9, v16;
	v14 =	vmin.f32 @!p2 v13, v14  }
0xbd: {  	v18 =	vld @!p2 [tilespmem:s30+$0x30];
	v14 =	vsel @!p2 vm0, v14, v13  }
0xbe: {  	vm0 =	vgt.s32 @!p2 v5, v16;
	v15 =	vmin.f32 @!p2 v14, v15  }
0xbf: {  	v14 =	vsel @!p2 vm0, v15, v14;
	v15 =	vld @!p2 [tilespmem:s30+$0x40]  }
0xc0: {  	vm0 =	vgt.s32 @!p2 v6, v16;
	v17 =	vmin.f32 @!p2 v14, v17  }
0xc1: {  	v14 =	vsel @!p2 vm0, v17, v14;
	v17 =	vld @!p2 [tilespmem:s30+$0x50]  }
0xc2: {  	vm0 =	vgt.s32 @!p2 v7, v16;
	v18 =	vmin.f32 @!p2 v14, v18  }
0xc3: {  	v14 =	vsel @!p2 vm0, v18, v14;
	v18 =	vld @!p2 [tilespmem:s30+$0x60]  }
0xc4: {  	vm0 =	vgt.s32 @!p2 v8, v16;
	v15 =	vmin.f32 @!p2 v14, v15  }
0xc5: {  	v14 =	vsel @!p2 vm0, v15, v14;
	v15 =	vld @!p2 [tilespmem:s30+$0x70]  }
0xc6: {  	vm0 =	vgt.s32 @!p2 v10, v16;
	v17 =	vmin.f32 @!p2 v14, v17  }
0xc7: {  	s28 =	sadd.s32 $0x1, s28;
	v14 =	vsel @!p2 vm0, v17, v14  }
0xc8: {  	p3 =	sne.s32 s28, $0x10;
	vm0 =	vgt.s32 @!p2 v11, v16;
	v17 =	vmin.f32 @!p2 v14, v18  }
.Ltmp8:
0xc9: {  	v14 =	vsel @!p2 vm0, v17, v14;
	(pc) =	sbr.rel @!p3 .LBB2_14-.Ltmp8, $4  }
0xca: {  	vm0 =	vgt.s32 @!p2 v12, v16;
	v15 =	vmin.f32 @!p2 v14, v15  }
0xcb: {  	s30 =	sshrl.u32 @!p2 s29, $0x2;
	v14 =	vsel @!p2 vm0, v15, v14  }
0xcc: {  	s29 =	sshrl.u32 @!p0 s29, $0x2;
	[tilespmem:s30+$0x10000] =	vst @!p2 v14  }
0xcd: {  	s26 =	sadd.s32 $0x200, s26;
	s25 =	sadd.s32 $0x1, s25;
	[tilespmem:s29+$0x10000] =	vst @!p0 v13  }
.LBB2_7:
.Ltmp9:
0xce: {  	(pc) =	sbr.rel @p1 .LBB2_13-.Ltmp9, $4  }
0xcf: {  	_ = 	snop  }
0xd0: {  	s29 =	sshll.u32 s28, $0x9  }
0xd1: {  	s30 =	sshrl.u32 s29, $0x2  }
0xd2: {  	v13 =	vld [tilespmem:s30+$0x10000]  }
0xd3: {  	s30 =	sshll.u32 s26, $0x2;
	s31 =	sand.u32 $0x7, s25;
	p4 =	sne.s32 s22, $0x1  }
.Ltmp10:
0xd4: {  	s30 =	sand.u32 $0xFFFFC000, s30;
	s31 =	sshll.u32 s31, $0x9;
	(pc) =	sbr.rel @!p4 .LBB2_9-.Ltmp10, $4  }
0xd5: {  	s30 =	sor.u32 s31, s30  }
0xd6: {  	s30 =	sshrl.u32 s30, $0x2  }
0xd7: {  	s30 =	sadd.s32 s30, s24  }
0xd8: {  	p3 =	por $0x0, $0x0;
	s31 =	sadd.s32 $0xFFFFFFFF, s22;
	v14 =	vld [tilespmem:s30+$0xFFFFFFC0]  }
0xd9: {  	v18 =	vld [tilespmem:s30+$0xFFFFFFD0]  }
0xda: {  	v19 =	vld [tilespmem:s30+$0xFFFFFFE0]  }
0xdb: {  	v20 =	vld [tilespmem:s30+$0xFFFFFFF0];
	p4 =	sne.s32 s31, $0x1  }
.Ltmp11:
0xdc: {  	v15 =	vld [tilespmem:s30+$0x0];
	(pc) =	sbr.rel @!p4 .LBB2_12-.Ltmp11, $4  }
0xdd: {  	v16 =	vld [tilespmem:s30+$0x10];
	v14 =	vmin.f32 v13, v14  }
0xde: {  	v17 =	vld [tilespmem:s30+$0x20];
	v14 =	vmin.f32 v14, v18  }
0xdf: {  	v18 =	vld [tilespmem:s30+$0x30];
	s30 =	sadd.s32 $0x400, s30;
	v19 =	vmin.f32 v14, v19  }
0xe0: {  	s31 =	sadd.s32 $0xFFFFFFFF, s31;
	p3 =	por $0x1, $0x1;
	v14 =	vld [tilespmem:s30+$0xFFFFFFC0];
	v19 =	vmin.f32 v19, v20  }
.LBB2_11:
0xe1: {  	p4 =	sne.s32 s31, $0x1;
	v20 =	vld [tilespmem:s30+$0xFFFFFFD0];
	v15 =	vmin.f32 v19, v15  }
0xe2: {  	v19 =	vld [tilespmem:s30+$0xFFFFFFE0];
	v15 =	vmin.f32 v15, v16  }
0xe3: {  	v21 =	vld [tilespmem:s30+$0xFFFFFFF0];
	v16 =	vmin.f32 v15, v17  }
.Ltmp12:
0xe4: {  	v15 =	vld [tilespmem:s30+$0x0];
	v16 =	vmin.f32 v16, v18;
	(pc) =	sbr.rel @p4 .LBB2_11-.Ltmp12, $4  }
0xe5: {  	v14 =	vmin.f32 v16, v14;
	v16 =	vld [tilespmem:s30+$0x10]  }
0xe6: {  	v14 =	vmin.f32 v14, v20;
	v17 =	vld [tilespmem:s30+$0x20]  }
0xe7: {  	v19 =	vmin.f32 v14, v19;
	v18 =	vld [tilespmem:s30+$0x30];
	s30 =	sadd.s32 $0x400, s30  }
0xe8: {  	s31 =	sadd.s32 $0xFFFFFFFF, s31;
	v14 =	vld [tilespmem:s30+$0xFFFFFFC0];
	v19 =	vmin.f32 v19, v21  }
.Ltmp13:
0xe9: {  	_ = 	snop;
	(pc) =	sbr.rel .LBB2_12-.Ltmp13, $1  }
0xea: {  	_ =	sdelay $0x3  }
.LBB2_14:
0xeb: {  	s22 =	sadd.s32 $0xFFFFFFFF, s14  }
0xec: {  	p0 =	sne.s32 s20, s22  }
.Ltmp14:
0xed: {  	_ = 	snop;
	(pc) =	sbr.rel @p0 .LBB2_18-.Ltmp14, $1  }
0xee: {  	_ =	sdelay $0x3  }
0xef: {  	s22 =	simm.s32 $0x10000  }
0xf0: {  	v5 =	vld [tilespmem:s22+$0x0];
	_ =	sdelay $0x4  }
0xf1: {  	s31 =	simm.s32 $0x10080;
	v6 =	vperm.xlane v5, v0  }
0xf2: {  	v7 =	vld [tilespmem:s31+$0x0]  }
0xf3: {  	v5 =	vmin.f32 v5, v6  }
0xf4: {  	v6 =	vperm.xlane v5, v1;
	_ =	sdelay $0x1  }
0xf5: {  	s23 =	simm.s32 $0x0;
	v6 =	vmin.f32 v5, v6  }
0xf6: {  	s24 =	simm.s32 $0x2;
	s25 =	simm.s32 $0x10100;
	s22 =	simm.s32 $0x1;
	v9 =	vperm.xlane v7, v0;
	v5 =	vimm.f32 $+Inf;
	v8 =	vperm.xlane v6, v2  }
.LBB2_16:
0xf7: {  	v10 =	vld [tilespmem:s25+$0x0];
	p0 =	sne.s32 s24, $0xF;
	s26 =	smov.u32 s24;
	s24 =	sadd.s32 $0x1, s24  }
.Ltmp15:
0xf8: {  	v7 =	vmin.f32 v7, v9;
	v8 =	vmin.f32 v6, v8;
	(pc) =	sbr.rel @p0 .LBB2_16-.Ltmp15, $4  }
0xf9: {  	v6 =	vperm.xlane v7, v1;
	v9 =	vperm.xlane v8, v3  }
0xfa: {  	v11 =	vmov s23;
	s23 =	smov.u32 s22;
	s22 =	smov.u32 s26  }
0xfb: {  	vm0 =	veq.s32 v11, v4;
	v6 =	vmin.f32 v7, v6;
	v12 =	vmin.f32 v8, v9  }
0xfc: {  	s25 =	sadd.s32 $0x80, s25;
	v9 =	vperm.xlane v10, v0;
	v8 =	vperm.xlane v6, v2;
	v5 =	vsel vm0, v12, v5;
	v7 =	vmovc v10  }
0xfd: {  	_ = 	snop  }
0xfe: {  	v7 =	vmin.f32 v7, v9  }
0xff: {  	v9 =	vperm.xlane v7, v1;
	_ =	sdelay $0x1  }
0x100: {  	v7 =	vmin.f32 v7, v9  }
0x101: {  	v9 =	vperm.xlane v7, v2  }
0x102: {  	v6 =	vmin.f32 v6, v8  }
0x103: {  	v8 =	vperm.xlane v6, v3;
	v7 =	vmin.f32 v7, v9  }
.Ltmp16:
0x104: {  	v62 =	vmov s23;
	v10 =	vperm.xlane v7, v3;
	(pc) =	sbr.rel .LBB2_18-.Ltmp16, $4  }
0x105: {  	v63 =	vmov s22;
	vm0 =	veq.s32 v62, v4;
	v6 =	vmin.f32 v6, v8  }
0x106: {  	s31 =	sshll.u32 s18, $0x6;
	vm15 =	veq.s32 v63, v4;
	v5 =	vsel vm0, v6, v5;
	v6 =	vmin.f32 v7, v10  }
0x107: {  	s22 =	sshra.s32 s31, $0x2;
	v5 =	vsel vm15, v6, v5  }
0x108: {  	[tilespmem:s22+$0x10760] =	vst v5  }
.LBB2_20:
0x109: {  	_ =	sfence.sel $0x180000  }
0x10a: {  	[bflag:$0x0] =	sbarrier.arrive $0xFFFF  }
0x10b: {  	p0 =	sne.s32 s4, $0x0;
	_ =	strace $0x90000047  }
0x10c: {  	s0 =	sadd.s32 @!p0 $0x100000, s2;
	[bflag:$0x2] =	sbarrier.arrive $0xFFFF  }
0x10d: {  	[sflag:s0] =	ssyncadd.tile.s32 @!p0 $0x1;
	_ =	shalt  }
.Lfunc_end2:
_tile_overlayer_lowered:
.L_overlay_start_2:
0x10e: {  	(tag) =	ssettag $0x2  }
0x10f: {  	s0 =	rddreg [dreg:$0x0];
	s2 =	stileid.u32  }
0x110: {  	s1 =	rddreg [dreg:$0x1];
	p0 =	sne.s32 s2, $0x0  }
0x111: {  	s3 =	rddreg [dreg:$0x2];
	[bflag:$0x3] =	sbarrier.arrive $0xFFFF;
	s2 =	simm.s32 @!p0 $0x1C09  }
0x112: {  	[timem:s3], [sflag:s2] =	dma.local @!p0 [hbm:s0], s1  }
0x113: {  	s0 =	simm.s32 @!p0 $0x9  }
0x114: {  	_ =	swait.ge @!p0 [sflag:s0], s1  }
0x115: {  	s1 =	ssub.s32 @!p0 $0x0, s1;
	[sflag:s0] =	ssyncset.done @!p0 $0x0  }
0x116: {  	[sflag:s0] =	ssyncadd.s32 @!p0 s1  }
0x117: {  	[bflag:$0x3] =	sbarrier.arrive $0xFFFF  }
0x118: {  	_ =	shalt  }

</sc_bundles>
